<compile_context>
chip_gen: v7x
topology: tpu7x:2x2x1
jax: 0.10.2.dev20260603
libtpu: 0.0.44.dev20260713+nightly
codegen_flags: <defaults>
</compile_context>

<pallas_src>
import functools

import jax
import jax.numpy as jnp
from jax import lax
from jax.experimental import pallas as pl
from jax.experimental.pallas import tpu as pltpu
from jax.experimental.pallas import tpu_sc as plsc

N_NODES = 10000
N_EDGES = 320000
D = 128
D_OUT = 40

NC = 2
NS = 16
NW = NC * NS
E_PER_TILE = N_EDGES // NW
CHUNK = 80
N_ITERS = E_PER_TILE // CHUNK
ROWS_PER_TILE = 624
ROWS_REM = N_NODES - NS * ROWS_PER_TILE
REM_BASE = NS * ROWS_PER_TILE

_sc_mesh = plsc.VectorSubcoreMesh(core_axis_name="c", subcore_axis_name="s")


@functools.partial(
    pl.kernel,
    out_type=jax.ShapeDtypeStruct((NC * N_NODES, D), jnp.float32),
    mesh=_sc_mesh,
    scratch_types=[
        pltpu.VMEM((CHUNK,), jnp.int32),
        pltpu.VMEM((CHUNK,), jnp.int32),
        pltpu.VMEM((CHUNK, D), jnp.float32),
        pltpu.VMEM_SHARED((N_NODES, D), jnp.float32),
        pltpu.SemaphoreType.DMA,
    ],
)
def _sc_aggregate(h_hbm, src_hbm, dst_hbm, zeros_hbm, out_hbm,
                  src_v, dst_v, rows_v, acc_sh, sem):
    cid = lax.axis_index("c")
    sid = lax.axis_index("s")
    wid = sid * NC + cid

    row0 = sid * ROWS_PER_TILE
    pltpu.sync_copy(zeros_hbm, acc_sh.at[pl.ds(row0, ROWS_PER_TILE)])

    @pl.when(sid == 0)
    def _zero_rem():
        pltpu.sync_copy(zeros_hbm.at[pl.ds(0, ROWS_REM)],
                        acc_sh.at[pl.ds(REM_BASE, ROWS_REM)])

    plsc.subcore_barrier()

    def body(i, carry):
        base = wid * E_PER_TILE + i * CHUNK
        pltpu.sync_copy(src_hbm.at[pl.ds(base, CHUNK)], src_v)
        pltpu.sync_copy(dst_hbm.at[pl.ds(base, CHUNK)], dst_v)
        pltpu.async_copy(h_hbm.at[src_v], rows_v, sem).wait()
        pltpu.sync_copy(rows_v, acc_sh.at[dst_v], add=True)
        return carry

    lax.fori_loop(0, N_ITERS, body, 0)
    plsc.subcore_barrier()

    pltpu.sync_copy(acc_sh.at[pl.ds(row0, ROWS_PER_TILE)],
                    out_hbm.at[pl.ds(cid * N_NODES + row0, ROWS_PER_TILE)])

    @pl.when(sid == 0)
    def _out_rem():
        pltpu.sync_copy(acc_sh.at[pl.ds(REM_BASE, ROWS_REM)],
                        out_hbm.at[pl.ds(cid * N_NODES + REM_BASE, ROWS_REM)])


def _tc_mlp(x, a0, a1, eps, W1, b1, W2, b2, act):
    B = 1000

    def body(eps_ref, x_ref, a0_ref, a1_ref, w1_ref, b1_ref, w2_ref, b2_ref,
             o_ref):
        h = (1.0 + eps_ref[0]) * x_ref[...] + a0_ref[...] + a1_ref[...]
        h = jnp.dot(h, w1_ref[...], preferred_element_type=jnp.float32)
        h = jnp.maximum(h + b1_ref[...], 0.0)
        o = jnp.dot(h, w2_ref[...], preferred_element_type=jnp.float32)
        o = o + b2_ref[...]
        if act == "relu":
            o = jnp.maximum(o, 0.0)
        elif act == "log_softmax":
            col = lax.broadcasted_iota(jnp.int32, o.shape, 1)
            valid = col < D_OUT
            om = jnp.where(valid, o, -jnp.inf)
            m = jnp.max(om, axis=1, keepdims=True)
            e = jnp.where(valid, jnp.exp(om - m), 0.0)
            o = o - (m + jnp.log(jnp.sum(e, axis=1, keepdims=True)))
        o_ref[...] = o

    return pl.pallas_call(
        body,
        grid=(N_NODES // B,),
        in_specs=[
            pl.BlockSpec(memory_space=pltpu.SMEM),
            pl.BlockSpec((B, D), lambda i: (i, 0)),
            pl.BlockSpec((B, D), lambda i: (i, 0)),
            pl.BlockSpec((B, D), lambda i: (i, 0)),
            pl.BlockSpec((D, D), lambda i: (0, 0)),
            pl.BlockSpec((1, D), lambda i: (0, 0)),
            pl.BlockSpec((D, D), lambda i: (0, 0)),
            pl.BlockSpec((1, D), lambda i: (0, 0)),
        ],
        out_specs=pl.BlockSpec((B, D), lambda i: (i, 0)),
        out_shape=jax.ShapeDtypeStruct((N_NODES, D), jnp.float32),
    )(eps, x, a0, a1, W1, b1, W2, b2)


def kernel(x, edges, eps0, W1_0, b1_0, W2_0, b2_0, eps1, W1_1, b1_1, W2_1,
           b2_1, eps2, W1_2, b1_2, W2_2, b2_2):
    src = edges[0].astype(jnp.int32)
    dst = edges[1].astype(jnp.int32)
    zeros = jnp.zeros((ROWS_PER_TILE, D), jnp.float32)

    W2_2p = jnp.zeros((D, D), jnp.float32).at[:, :D_OUT].set(W2_2)
    b2_2p = jnp.zeros((D,), jnp.float32).at[:D_OUT].set(b2_2)

    def agg(h):
        parts = _sc_aggregate(h, src, dst, zeros)
        return parts[:N_NODES], parts[N_NODES:]

    layers = [
        (eps0, W1_0, b1_0, W2_0, b2_0, "relu"),
        (eps1, W1_1, b1_1, W2_1, b2_1, "relu"),
        (eps2, W1_2, b1_2, W2_2p, b2_2p, "log_softmax"),
    ]
    h = x
    for eps, W1, b1, W2, b2, act in layers:
        a0, a1 = agg(h)
        h = _tc_mlp(h, a0, a1, eps.reshape(1), W1, b1.reshape(1, D), W2,
                    b2.reshape(1, D), act)
    return h[:, :D_OUT]

# --- scband reference (transcript-rebuilt; emitter-appended) ---
"""Pipeline reference for scband-gin-90117003805312 (READ-ONLY COPY).

The authoritative reference and input builder live on the scoring server;
editing this copy changes nothing except your own understanding.
"""

import jax, jax.numpy as jnp
import numpy as np

N_NODES = 10000
N_EDGES = 320000
D_IN = 128
D_HID = 128
D_OUT = 40


def setup_inputs(seed: int = 0) -> dict:
    key = jax.random.key(seed)
    ks = jax.random.split(key, 20)
    x = jax.random.normal(ks[0], (N_NODES, D_IN), dtype=jnp.float32)
    edges = jax.random.randint(ks[1], (2, N_EDGES), 0, N_NODES, dtype=jnp.int64)
    s = 0.05
    params = {
        'eps0': jnp.zeros((), dtype=jnp.float32),
        'W1_0': jax.random.normal(ks[2], (D_IN, D_HID), dtype=jnp.float32) * s,
        'b1_0': jnp.zeros((D_HID,), dtype=jnp.float32),
        'W2_0': jax.random.normal(ks[3], (D_HID, D_HID), dtype=jnp.float32) * s,
        'b2_0': jnp.zeros((D_HID,), dtype=jnp.float32),
        'eps1': jnp.zeros((), dtype=jnp.float32),
        'W1_1': jax.random.normal(ks[4], (D_HID, D_HID), dtype=jnp.float32) * s,
        'b1_1': jnp.zeros((D_HID,), dtype=jnp.float32),
        'W2_1': jax.random.normal(ks[5], (D_HID, D_HID), dtype=jnp.float32) * s,
        'b2_1': jnp.zeros((D_HID,), dtype=jnp.float32),
        'eps2': jnp.zeros((), dtype=jnp.float32),
        'W1_2': jax.random.normal(ks[6], (D_HID, D_HID), dtype=jnp.float32) * s,
        'b1_2': jnp.zeros((D_HID,), dtype=jnp.float32),
        'W2_2': jax.random.normal(ks[7], (D_HID, D_OUT), dtype=jnp.float32) * s,
        'b2_2': jnp.zeros((D_OUT,), dtype=jnp.float32),
    }
    return {'x': x, 'edges': edges, **params}


def _gin_conv(x, edges, eps, W1, b1, W2, b2):
    src = edges[0]
    dst = edges[1]
    agg = jnp.zeros_like(x).at[dst].add(x[src])
    h = (1.0 + eps) * x + agg
    h = jnp.maximum(h @ W1 + b1, 0.0)
    return h @ W2 + b2


def reference(x, edges, eps0, W1_0, b1_0, W2_0, b2_0, eps1, W1_1, b1_1, W2_1, b2_1, eps2, W1_2, b1_2, W2_2, b2_2):
    # eval mode: dropout is identity; BatchNorm list is unused in the original forward
    h = x
    h = jnp.maximum(_gin_conv(h, edges, eps0, W1_0, b1_0, W2_0, b2_0), 0.0)
    h = jnp.maximum(_gin_conv(h, edges, eps1, W1_1, b1_1, W2_1, b2_1), 0.0)
    o = _gin_conv(h, edges, eps2, W1_2, b1_2, W2_2, b2_2)
    return jax.nn.log_softmax(o, axis=1)

if __name__ == "__main__":
    import jax
    _d = setup_inputs()
    print(jax.jit(kernel)(*tuple(_d.values())))

</pallas_src>

<mosaic_0001>
#map = affine_map<(d0, d1) -> (0, 0)>
#map1 = affine_map<(d0, d1) -> (0)>
module attributes {stable_mosaic.version = 14 : i64} {
  func.func @_sc_aggregate(%arg0: i32, %arg1: i32, %arg2: memref<10000x128xf32, #tpu.memory_space<hbm>>, %arg3: memref<320000xi32, #tpu.memory_space<hbm>>, %arg4: memref<320000xi32, #tpu.memory_space<hbm>>, %arg5: memref<624x128xf32, #tpu.memory_space<hbm>>, %arg6: memref<20000x128xf32, #tpu.memory_space<hbm>>, %arg7: memref<80xi32, #tpu.memory_space<vmem>>, %arg8: memref<80xi32, #tpu.memory_space<vmem>>, %arg9: memref<80x128xf32, #tpu.memory_space<vmem>>, %arg10: memref<10000x128xf32, #tpu.memory_space<vmem_shared>>, %arg11: memref<!tpu.dma_semaphore, #tpu.memory_space<semaphore_mem>>) attributes {dimension_semantics = [#tpu.dimension_semantics<core_parallel>, #tpu.dimension_semantics<subcore_parallel>], iteration_bounds = array<i64: 2, 16>, scalar_prefetch = 0 : i64, scratch_operands = 5 : i64, tpu.core_type = #tpu.core_type<sc_vector_subcore>, window_params = [{transform_indices = #map}, {transform_indices = #map1}, {transform_indices = #map1}, {transform_indices = #map}, {transform_indices = #map}]} {
    %mul3A = arith.constant 2 : i32
    %mul3A_0 = arith.muli %arg1, %mul3A : i32
    %add3A = arith.addi %mul3A_0, %arg0 : i32
    %mul3A_1 = arith.constant 624 : i32
    %mul3A_2 = arith.muli %arg1, %mul3A_1 : i32
    "tpu.region"() ({
      %run_scoped3A = tpu.sem_alloc : memref<!tpu.dma_semaphore, #tpu.memory_space<semaphore_mem>>
      %dma_start3A = arith.constant 0 : i32
      %dma_start3A_19 = tpu.memref_slice %arg10[%mul3A_2, %dma_start3A] : memref<10000x128xf32, #tpu.memory_space<vmem_shared>> -> memref<624x128xf32, #tpu.memory_space<vmem_shared>>
      tpu.enqueue_dma source(%arg5 : memref<624x128xf32, #tpu.memory_space<hbm>>) target(%dma_start3A_19 : memref<624x128xf32, #tpu.memory_space<vmem_shared>>) target_semaphore(%run_scoped3A : memref<!tpu.dma_semaphore, #tpu.memory_space<semaphore_mem>>)
      %dma_wait3A = arith.constant 0 : i32
      %dma_wait3A_20 = tpu.memref_slice %arg10[%mul3A_2, %dma_wait3A] : memref<10000x128xf32, #tpu.memory_space<vmem_shared>> -> memref<624x128xf32, #tpu.memory_space<vmem_shared>>
      tpu.wait_dma2 semaphore(%run_scoped3A : memref<!tpu.dma_semaphore, #tpu.memory_space<semaphore_mem>>) src(%arg5 : memref<624x128xf32, #tpu.memory_space<hbm>>) dst(%dma_wait3A_20 : memref<624x128xf32, #tpu.memory_space<vmem_shared>>)
      tpu.yield
    }) : () -> ()
    %eq3A = arith.constant 0 : i32
    %eq3A_3 = arith.cmpi eq, %arg1, %eq3A : i32
    %convert_element_type3A = arith.extui %eq3A_3 : i1 to i32
    %cond3A = arith.constant 0 : i32
    %cond3A_4 = arith.cmpi ne, %convert_element_type3A, %cond3A : i32
    scf.if %cond3A_4 {
      "tpu.region"() ({
        %run_scoped3A = tpu.sem_alloc : memref<!tpu.dma_semaphore, #tpu.memory_space<semaphore_mem>>
        %dma_start3A = arith.constant 9984 : i32
        %dma_start3A_19 = arith.constant 0 : i32
        %dma_start3A_20 = tpu.memref_slice %arg10[%dma_start3A, %dma_start3A_19] : memref<10000x128xf32, #tpu.memory_space<vmem_shared>> -> memref<16x128xf32, #tpu.memory_space<vmem_shared>>
        %dma_start3A_21 = arith.constant 0 : i32
        %dma_start3A_22 = arith.constant 0 : i32
        %dma_start3A_23 = tpu.memref_slice %arg5[%dma_start3A_21, %dma_start3A_22] : memref<624x128xf32, #tpu.memory_space<hbm>> -> memref<16x128xf32, #tpu.memory_space<hbm>>
        tpu.enqueue_dma source(%dma_start3A_23 : memref<16x128xf32, #tpu.memory_space<hbm>>) target(%dma_start3A_20 : memref<16x128xf32, #tpu.memory_space<vmem_shared>>) target_semaphore(%run_scoped3A : memref<!tpu.dma_semaphore, #tpu.memory_space<semaphore_mem>>)
        %dma_wait3A = arith.constant 9984 : i32
        %dma_wait3A_24 = arith.constant 0 : i32
        %dma_wait3A_25 = tpu.memref_slice %arg10[%dma_wait3A, %dma_wait3A_24] : memref<10000x128xf32, #tpu.memory_space<vmem_shared>> -> memref<16x128xf32, #tpu.memory_space<vmem_shared>>
        %dma_wait3A_26 = arith.constant 0 : i32
        %dma_wait3A_27 = arith.constant 0 : i32
        %dma_wait3A_28 = tpu.memref_slice %arg5[%dma_wait3A_26, %dma_wait3A_27] : memref<624x128xf32, #tpu.memory_space<hbm>> -> memref<16x128xf32, #tpu.memory_space<hbm>>
        tpu.wait_dma2 semaphore(%run_scoped3A : memref<!tpu.dma_semaphore, #tpu.memory_space<semaphore_mem>>) src(%dma_wait3A_28 : memref<16x128xf32, #tpu.memory_space<hbm>>) dst(%dma_wait3A_25 : memref<16x128xf32, #tpu.memory_space<vmem_shared>>)
        tpu.yield
      }) : () -> ()
    } else {
    }
    %barrier3A = arith.constant 0 : index
    tpu.barrier barrier_id(%barrier3A)
    %scan3A = arith.constant 0 : i32
    %scan3A_5 = arith.constant 0 : i32
    %scan3A_6 = arith.constant 125 : i32
    %scan3A_7 = arith.addi %scan3A_5, %scan3A_6 : i32
    %scan3A_8 = arith.constant 1 : i32
    scf.for %scan3A_19 = %scan3A_5 to %scan3A_7 step %scan3A_8  : i32 {
      %mul3A_20 = arith.constant 10000 : i32
      %mul3A_21 = arith.muli %add3A, %mul3A_20 : i32
      %mul3A_22 = arith.constant 80 : i32
      %mul3A_23 = arith.muli %scan3A_19, %mul3A_22 : i32
      %add3A_24 = arith.addi %mul3A_21, %mul3A_23 : i32
      "tpu.region"() ({
        %run_scoped3A = tpu.sem_alloc : memref<!tpu.dma_semaphore, #tpu.memory_space<semaphore_mem>>
        %dma_start3A_29 = tpu.memref_slice %arg3[%add3A_24] : memref<320000xi32, #tpu.memory_space<hbm>> -> memref<80xi32, #tpu.memory_space<hbm>>
        %dma_start3A_30 = tpu.memref_slice %arg3[%add3A_24] : memref<320000xi32, #tpu.memory_space<hbm>> -> memref<80xi32, #tpu.memory_space<hbm>>
        tpu.enqueue_dma source(%dma_start3A_30 : memref<80xi32, #tpu.memory_space<hbm>>) target(%arg7 : memref<80xi32, #tpu.memory_space<vmem>>) target_semaphore(%run_scoped3A : memref<!tpu.dma_semaphore, #tpu.memory_space<semaphore_mem>>)
        %dma_wait3A_31 = tpu.memref_slice %arg3[%add3A_24] : memref<320000xi32, #tpu.memory_space<hbm>> -> memref<80xi32, #tpu.memory_space<hbm>>
        %dma_wait3A_32 = tpu.memref_slice %arg3[%add3A_24] : memref<320000xi32, #tpu.memory_space<hbm>> -> memref<80xi32, #tpu.memory_space<hbm>>
        tpu.wait_dma2 semaphore(%run_scoped3A : memref<!tpu.dma_semaphore, #tpu.memory_space<semaphore_mem>>) src(%dma_wait3A_32 : memref<80xi32, #tpu.memory_space<hbm>>) dst(%arg7 : memref<80xi32, #tpu.memory_space<vmem>>)
        tpu.yield
      }) : () -> ()
      "tpu.region"() ({
        %run_scoped3A = tpu.sem_alloc : memref<!tpu.dma_semaphore, #tpu.memory_space<semaphore_mem>>
        %dma_start3A_29 = tpu.memref_slice %arg4[%add3A_24] : memref<320000xi32, #tpu.memory_space<hbm>> -> memref<80xi32, #tpu.memory_space<hbm>>
        %dma_start3A_30 = tpu.memref_slice %arg4[%add3A_24] : memref<320000xi32, #tpu.memory_space<hbm>> -> memref<80xi32, #tpu.memory_space<hbm>>
        tpu.enqueue_dma source(%dma_start3A_30 : memref<80xi32, #tpu.memory_space<hbm>>) target(%arg8 : memref<80xi32, #tpu.memory_space<vmem>>) target_semaphore(%run_scoped3A : memref<!tpu.dma_semaphore, #tpu.memory_space<semaphore_mem>>)
        %dma_wait3A_31 = tpu.memref_slice %arg4[%add3A_24] : memref<320000xi32, #tpu.memory_space<hbm>> -> memref<80xi32, #tpu.memory_space<hbm>>
        %dma_wait3A_32 = tpu.memref_slice %arg4[%add3A_24] : memref<320000xi32, #tpu.memory_space<hbm>> -> memref<80xi32, #tpu.memory_space<hbm>>
        tpu.wait_dma2 semaphore(%run_scoped3A : memref<!tpu.dma_semaphore, #tpu.memory_space<semaphore_mem>>) src(%dma_wait3A_32 : memref<80xi32, #tpu.memory_space<hbm>>) dst(%arg8 : memref<80xi32, #tpu.memory_space<vmem>>)
        tpu.yield
      }) : () -> ()
      %dma_start3A = arith.constant 0 : i32
      %dma_start3A_25 = arith.constant 0 : i32
      %dma_start3A_26 = tpu.memref_slice %arg2[%dma_start3A, %dma_start3A_25] : memref<10000x128xf32, #tpu.memory_space<hbm>> -> memref<10000x128xf32, #tpu.memory_space<hbm>>
      tpu.enqueue_indirect_dma source(%dma_start3A_26 : memref<10000x128xf32, #tpu.memory_space<hbm>>) target(%arg9 : memref<80x128xf32, #tpu.memory_space<vmem>>) offsets(%arg7 : memref<80xi32, #tpu.memory_space<vmem>>) semaphore(%arg11 : memref<!tpu.dma_semaphore, #tpu.memory_space<semaphore_mem>>)
      %dma_wait3A = arith.constant 0 : i32
      %dma_wait3A_27 = arith.constant 0 : i32
      %dma_wait3A_28 = tpu.memref_slice %arg2[%dma_wait3A, %dma_wait3A_27] : memref<10000x128xf32, #tpu.memory_space<hbm>> -> memref<10000x128xf32, #tpu.memory_space<hbm>>
      tpu.wait_indirect_dma semaphore(%arg11 : memref<!tpu.dma_semaphore, #tpu.memory_space<semaphore_mem>>) src(%dma_wait3A_28 : memref<10000x128xf32, #tpu.memory_space<hbm>>) dst(%arg9 : memref<80x128xf32, #tpu.memory_space<vmem>>)
      "tpu.region"() ({
        %run_scoped3A = tpu.sem_alloc : memref<!tpu.dma_semaphore, #tpu.memory_space<semaphore_mem>>
        %dma_start3A_29 = arith.constant 0 : i32
        %dma_start3A_30 = arith.constant 0 : i32
        %dma_start3A_31 = tpu.memref_slice %arg10[%dma_start3A_29, %dma_start3A_30] : memref<10000x128xf32, #tpu.memory_space<vmem_shared>> -> memref<10000x128xf32, #tpu.memory_space<vmem_shared>>
        tpu.enqueue_indirect_dma source(%arg9 : memref<80x128xf32, #tpu.memory_space<vmem>>) target(%dma_start3A_31 : memref<10000x128xf32, #tpu.memory_space<vmem_shared>>) offsets(%arg8 : memref<80xi32, #tpu.memory_space<vmem>>) semaphore(%run_scoped3A : memref<!tpu.dma_semaphore, #tpu.memory_space<semaphore_mem>>) {add = true}
        %dma_wait3A_32 = arith.constant 0 : i32
        %dma_wait3A_33 = arith.constant 0 : i32
        %dma_wait3A_34 = tpu.memref_slice %arg10[%dma_wait3A_32, %dma_wait3A_33] : memref<10000x128xf32, #tpu.memory_space<vmem_shared>> -> memref<10000x128xf32, #tpu.memory_space<vmem_shared>>
        tpu.wait_indirect_dma semaphore(%run_scoped3A : memref<!tpu.dma_semaphore, #tpu.memory_space<semaphore_mem>>) src(%arg9 : memref<80x128xf32, #tpu.memory_space<vmem>>) dst(%dma_wait3A_34 : memref<10000x128xf32, #tpu.memory_space<vmem_shared>>)
        tpu.yield
      }) : () -> ()
    }
    %scan3A_9 = arith.constant 125 : i32
    %barrier3A_10 = arith.constant 0 : index
    tpu.barrier barrier_id(%barrier3A_10)
    %mul3A_11 = arith.constant 10000 : i32
    %mul3A_12 = arith.muli %arg0, %mul3A_11 : i32
    %add3A_13 = arith.addi %mul3A_12, %mul3A_2 : i32
    "tpu.region"() ({
      %run_scoped3A = tpu.sem_alloc : memref<!tpu.dma_semaphore, #tpu.memory_space<semaphore_mem>>
      %dma_start3A = arith.constant 0 : i32
      %dma_start3A_19 = tpu.memref_slice %arg6[%add3A_13, %dma_start3A] : memref<20000x128xf32, #tpu.memory_space<hbm>> -> memref<624x128xf32, #tpu.memory_space<hbm>>
      %dma_start3A_20 = arith.constant 0 : i32
      %dma_start3A_21 = tpu.memref_slice %arg10[%mul3A_2, %dma_start3A_20] : memref<10000x128xf32, #tpu.memory_space<vmem_shared>> -> memref<624x128xf32, #tpu.memory_space<vmem_shared>>
      tpu.enqueue_dma source(%dma_start3A_21 : memref<624x128xf32, #tpu.memory_space<vmem_shared>>) target(%dma_start3A_19 : memref<624x128xf32, #tpu.memory_space<hbm>>) target_semaphore(%run_scoped3A : memref<!tpu.dma_semaphore, #tpu.memory_space<semaphore_mem>>)
      %dma_wait3A = arith.constant 0 : i32
      %dma_wait3A_22 = tpu.memref_slice %arg6[%add3A_13, %dma_wait3A] : memref<20000x128xf32, #tpu.memory_space<hbm>> -> memref<624x128xf32, #tpu.memory_space<hbm>>
      %dma_wait3A_23 = arith.constant 0 : i32
      %dma_wait3A_24 = tpu.memref_slice %arg10[%mul3A_2, %dma_wait3A_23] : memref<10000x128xf32, #tpu.memory_space<vmem_shared>> -> memref<624x128xf32, #tpu.memory_space<vmem_shared>>
      tpu.wait_dma2 semaphore(%run_scoped3A : memref<!tpu.dma_semaphore, #tpu.memory_space<semaphore_mem>>) src(%dma_wait3A_24 : memref<624x128xf32, #tpu.memory_space<vmem_shared>>) dst(%dma_wait3A_22 : memref<624x128xf32, #tpu.memory_space<hbm>>)
      tpu.yield
    }) : () -> ()
    %eq3A_14 = arith.constant 0 : i32
    %eq3A_15 = arith.cmpi eq, %arg1, %eq3A_14 : i32
    %convert_element_type3A_16 = arith.extui %eq3A_15 : i1 to i32
    %cond3A_17 = arith.constant 0 : i32
    %cond3A_18 = arith.cmpi ne, %convert_element_type3A_16, %cond3A_17 : i32
    scf.if %cond3A_18 {
      %mul3A_19 = arith.constant 10000 : i32
      %mul3A_20 = arith.muli %arg0, %mul3A_19 : i32
      %add3A_21 = arith.constant 9984 : i32
      %add3A_22 = arith.addi %mul3A_20, %add3A_21 : i32
      "tpu.region"() ({
        %run_scoped3A = tpu.sem_alloc : memref<!tpu.dma_semaphore, #tpu.memory_space<semaphore_mem>>
        %dma_start3A = arith.constant 0 : i32
        %dma_start3A_23 = tpu.memref_slice %arg6[%add3A_22, %dma_start3A] : memref<20000x128xf32, #tpu.memory_space<hbm>> -> memref<16x128xf32, #tpu.memory_space<hbm>>
        %dma_start3A_24 = arith.constant 9984 : i32
        %dma_start3A_25 = arith.constant 0 : i32
        %dma_start3A_26 = tpu.memref_slice %arg10[%dma_start3A_24, %dma_start3A_25] : memref<10000x128xf32, #tpu.memory_space<vmem_shared>> -> memref<16x128xf32, #tpu.memory_space<vmem_shared>>
        tpu.enqueue_dma source(%dma_start3A_26 : memref<16x128xf32, #tpu.memory_space<vmem_shared>>) target(%dma_start3A_23 : memref<16x128xf32, #tpu.memory_space<hbm>>) target_semaphore(%run_scoped3A : memref<!tpu.dma_semaphore, #tpu.memory_space<semaphore_mem>>)
        %dma_wait3A = arith.constant 0 : i32
        %dma_wait3A_27 = tpu.memref_slice %arg6[%add3A_22, %dma_wait3A] : memref<20000x128xf32, #tpu.memory_space<hbm>> -> memref<16x128xf32, #tpu.memory_space<hbm>>
        %dma_wait3A_28 = arith.constant 9984 : i32
        %dma_wait3A_29 = arith.constant 0 : i32
        %dma_wait3A_30 = tpu.memref_slice %arg10[%dma_wait3A_28, %dma_wait3A_29] : memref<10000x128xf32, #tpu.memory_space<vmem_shared>> -> memref<16x128xf32, #tpu.memory_space<vmem_shared>>
        tpu.wait_dma2 semaphore(%run_scoped3A : memref<!tpu.dma_semaphore, #tpu.memory_space<semaphore_mem>>) src(%dma_wait3A_30 : memref<16x128xf32, #tpu.memory_space<vmem_shared>>) dst(%dma_wait3A_27 : memref<16x128xf32, #tpu.memory_space<hbm>>)
        tpu.yield
      }) : () -> ()
    } else {
    }
    return
  }
}

#map = affine_map<(d0, d1) -> (0, 0)>
#map1 = affine_map<(d0, d1) -> (0)>
module attributes {stable_mosaic.version = 14 : i64} {
  func.func @_sc_aggregate(%arg0: i32, %arg1: i32, %arg2: memref<10000x128xf32, #tpu.memory_space<hbm>>, %arg3: memref<320000xi32, #tpu.memory_space<hbm>>, %arg4: memref<320000xi32, #tpu.memory_space<hbm>>, %arg5: memref<624x128xf32, #tpu.memory_space<hbm>>, %arg6: memref<20000x128xf32, #tpu.memory_space<hbm>>, %arg7: memref<80xi32, #tpu.memory_space<vmem>>, %arg8: memref<80xi32, #tpu.memory_space<vmem>>, %arg9: memref<80x128xf32, #tpu.memory_space<vmem>>, %arg10: memref<10000x128xf32, #tpu.memory_space<vmem_shared>>, %arg11: memref<!tpu.dma_semaphore, #tpu.memory_space<semaphore_mem>>) attributes {dimension_semantics = [#tpu.dimension_semantics<core_parallel>, #tpu.dimension_semantics<subcore_parallel>], iteration_bounds = array<i64: 2, 16>, scalar_prefetch = 0 : i64, scratch_operands = 5 : i64, tpu.core_type = #tpu.core_type<sc_vector_subcore>, window_params = [{transform_indices = #map}, {transform_indices = #map1}, {transform_indices = #map1}, {transform_indices = #map}, {transform_indices = #map}]} {
    %mul3A = arith.constant 2 : i32
    %mul3A_0 = arith.muli %arg1, %mul3A : i32
    %add3A = arith.addi %mul3A_0, %arg0 : i32
    %mul3A_1 = arith.constant 624 : i32
    %mul3A_2 = arith.muli %arg1, %mul3A_1 : i32
    "tpu.region"() ({
      %run_scoped3A = tpu.sem_alloc : memref<!tpu.dma_semaphore, #tpu.memory_space<semaphore_mem>>
      %dma_start3A = arith.constant 0 : i32
      %dma_start3A_19 = tpu.memref_slice %arg10[%mul3A_2, %dma_start3A] : memref<10000x128xf32, #tpu.memory_space<vmem_shared>> -> memref<624x128xf32, #tpu.memory_space<vmem_shared>>
      tpu.enqueue_dma source(%arg5 : memref<624x128xf32, #tpu.memory_space<hbm>>) target(%dma_start3A_19 : memref<624x128xf32, #tpu.memory_space<vmem_shared>>) target_semaphore(%run_scoped3A : memref<!tpu.dma_semaphore, #tpu.memory_space<semaphore_mem>>)
      %dma_wait3A = arith.constant 0 : i32
      %dma_wait3A_20 = tpu.memref_slice %arg10[%mul3A_2, %dma_wait3A] : memref<10000x128xf32, #tpu.memory_space<vmem_shared>> -> memref<624x128xf32, #tpu.memory_space<vmem_shared>>
      tpu.wait_dma2 semaphore(%run_scoped3A : memref<!tpu.dma_semaphore, #tpu.memory_space<semaphore_mem>>) src(%arg5 : memref<624x128xf32, #tpu.memory_space<hbm>>) dst(%dma_wait3A_20 : memref<624x128xf32, #tpu.memory_space<vmem_shared>>)
      tpu.yield
    }) : () -> ()
    %eq3A = arith.constant 0 : i32
    %eq3A_3 = arith.cmpi eq, %arg1, %eq3A : i32
    %convert_element_type3A = arith.extui %eq3A_3 : i1 to i32
    %cond3A = arith.constant 0 : i32
    %cond3A_4 = arith.cmpi ne, %convert_element_type3A, %cond3A : i32
    scf.if %cond3A_4 {
      "tpu.region"() ({
        %run_scoped3A = tpu.sem_alloc : memref<!tpu.dma_semaphore, #tpu.memory_space<semaphore_mem>>
        %dma_start3A = arith.constant 9984 : i32
        %dma_start3A_19 = arith.constant 0 : i32
        %dma_start3A_20 = tpu.memref_slice %arg10[%dma_start3A, %dma_start3A_19] : memref<10000x128xf32, #tpu.memory_space<vmem_shared>> -> memref<16x128xf32, #tpu.memory_space<vmem_shared>>
        %dma_start3A_21 = arith.constant 0 : i32
        %dma_start3A_22 = arith.constant 0 : i32
        %dma_start3A_23 = tpu.memref_slice %arg5[%dma_start3A_21, %dma_start3A_22] : memref<624x128xf32, #tpu.memory_space<hbm>> -> memref<16x128xf32, #tpu.memory_space<hbm>>
        tpu.enqueue_dma source(%dma_start3A_23 : memref<16x128xf32, #tpu.memory_space<hbm>>) target(%dma_start3A_20 : memref<16x128xf32, #tpu.memory_space<vmem_shared>>) target_semaphore(%run_scoped3A : memref<!tpu.dma_semaphore, #tpu.memory_space<semaphore_mem>>)
        %dma_wait3A = arith.constant 9984 : i32
        %dma_wait3A_24 = arith.constant 0 : i32
        %dma_wait3A_25 = tpu.memref_slice %arg10[%dma_wait3A, %dma_wait3A_24] : memref<10000x128xf32, #tpu.memory_space<vmem_shared>> -> memref<16x128xf32, #tpu.memory_space<vmem_shared>>
        %dma_wait3A_26 = arith.constant 0 : i32
        %dma_wait3A_27 = arith.constant 0 : i32
        %dma_wait3A_28 = tpu.memref_slice %arg5[%dma_wait3A_26, %dma_wait3A_27] : memref<624x128xf32, #tpu.memory_space<hbm>> -> memref<16x128xf32, #tpu.memory_space<hbm>>
        tpu.wait_dma2 semaphore(%run_scoped3A : memref<!tpu.dma_semaphore, #tpu.memory_space<semaphore_mem>>) src(%dma_wait3A_28 : memref<16x128xf32, #tpu.memory_space<hbm>>) dst(%dma_wait3A_25 : memref<16x128xf32, #tpu.memory_space<vmem_shared>>)
        tpu.yield
      }) : () -> ()
    } else {
    }
    %barrier3A = arith.constant 0 : index
    tpu.barrier barrier_id(%barrier3A)
    %scan3A = arith.constant 0 : i32
    %scan3A_5 = arith.constant 0 : i32
    %scan3A_6 = arith.constant 125 : i32
    %scan3A_7 = arith.addi %scan3A_5, %scan3A_6 : i32
    %scan3A_8 = arith.constant 1 : i32
    scf.for %scan3A_19 = %scan3A_5 to %scan3A_7 step %scan3A_8  : i32 {
      %mul3A_20 = arith.constant 10000 : i32
      %mul3A_21 = arith.muli %add3A, %mul3A_20 : i32
      %mul3A_22 = arith.constant 80 : i32
      %mul3A_23 = arith.muli %scan3A_19, %mul3A_22 : i32
      %add3A_24 = arith.addi %mul3A_21, %mul3A_23 : i32
      "tpu.region"() ({
        %run_scoped3A = tpu.sem_alloc : memref<!tpu.dma_semaphore, #tpu.memory_space<semaphore_mem>>
        %dma_start3A_29 = tpu.memref_slice %arg3[%add3A_24] : memref<320000xi32, #tpu.memory_space<hbm>> -> memref<80xi32, #tpu.memory_space<hbm>>
        %dma_start3A_30 = tpu.memref_slice %arg3[%add3A_24] : memref<320000xi32, #tpu.memory_space<hbm>> -> memref<80xi32, #tpu.memory_space<hbm>>
        tpu.enqueue_dma source(%dma_start3A_30 : memref<80xi32, #tpu.memory_space<hbm>>) target(%arg7 : memref<80xi32, #tpu.memory_space<vmem>>) target_semaphore(%run_scoped3A : memref<!tpu.dma_semaphore, #tpu.memory_space<semaphore_mem>>)
        %dma_wait3A_31 = tpu.memref_slice %arg3[%add3A_24] : memref<320000xi32, #tpu.memory_space<hbm>> -> memref<80xi32, #tpu.memory_space<hbm>>
        %dma_wait3A_32 = tpu.memref_slice %arg3[%add3A_24] : memref<320000xi32, #tpu.memory_space<hbm>> -> memref<80xi32, #tpu.memory_space<hbm>>
        tpu.wait_dma2 semaphore(%run_scoped3A : memref<!tpu.dma_semaphore, #tpu.memory_space<semaphore_mem>>) src(%dma_wait3A_32 : memref<80xi32, #tpu.memory_space<hbm>>) dst(%arg7 : memref<80xi32, #tpu.memory_space<vmem>>)
        tpu.yield
      }) : () -> ()
      "tpu.region"() ({
        %run_scoped3A = tpu.sem_alloc : memref<!tpu.dma_semaphore, #tpu.memory_space<semaphore_mem>>
        %dma_start3A_29 = tpu.memref_slice %arg4[%add3A_24] : memref<320000xi32, #tpu.memory_space<hbm>> -> memref<80xi32, #tpu.memory_space<hbm>>
        %dma_start3A_30 = tpu.memref_slice %arg4[%add3A_24] : memref<320000xi32, #tpu.memory_space<hbm>> -> memref<80xi32, #tpu.memory_space<hbm>>
        tpu.enqueue_dma source(%dma_start3A_30 : memref<80xi32, #tpu.memory_space<hbm>>) target(%arg8 : memref<80xi32, #tpu.memory_space<vmem>>) target_semaphore(%run_scoped3A : memref<!tpu.dma_semaphore, #tpu.memory_space<semaphore_mem>>)
        %dma_wait3A_31 = tpu.memref_slice %arg4[%add3A_24] : memref<320000xi32, #tpu.memory_space<hbm>> -> memref<80xi32, #tpu.memory_space<hbm>>
        %dma_wait3A_32 = tpu.memref_slice %arg4[%add3A_24] : memref<320000xi32, #tpu.memory_space<hbm>> -> memref<80xi32, #tpu.memory_space<hbm>>
        tpu.wait_dma2 semaphore(%run_scoped3A : memref<!tpu.dma_semaphore, #tpu.memory_space<semaphore_mem>>) src(%dma_wait3A_32 : memref<80xi32, #tpu.memory_space<hbm>>) dst(%arg8 : memref<80xi32, #tpu.memory_space<vmem>>)
        tpu.yield
      }) : () -> ()
      %dma_start3A = arith.constant 0 : i32
      %dma_start3A_25 = arith.constant 0 : i32
      %dma_start3A_26 = tpu.memref_slice %arg2[%dma_start3A, %dma_start3A_25] : memref<10000x128xf32, #tpu.memory_space<hbm>> -> memref<10000x128xf32, #tpu.memory_space<hbm>>
      tpu.enqueue_indirect_dma source(%dma_start3A_26 : memref<10000x128xf32, #tpu.memory_space<hbm>>) target(%arg9 : memref<80x128xf32, #tpu.memory_space<vmem>>) offsets(%arg7 : memref<80xi32, #tpu.memory_space<vmem>>) semaphore(%arg11 : memref<!tpu.dma_semaphore, #tpu.memory_space<semaphore_mem>>)
      %dma_wait3A = arith.constant 0 : i32
      %dma_wait3A_27 = arith.constant 0 : i32
      %dma_wait3A_28 = tpu.memref_slice %arg2[%dma_wait3A, %dma_wait3A_27] : memref<10000x128xf32, #tpu.memory_space<hbm>> -> memref<10000x128xf32, #tpu.memory_space<hbm>>
      tpu.wait_indirect_dma semaphore(%arg11 : memref<!tpu.dma_semaphore, #tpu.memory_space<semaphore_mem>>) src(%dma_wait3A_28 : memref<10000x128xf32, #tpu.memory_space<hbm>>) dst(%arg9 : memref<80x128xf32, #tpu.memory_space<vmem>>)
      "tpu.region"() ({
        %run_scoped3A = tpu.sem_alloc : memref<!tpu.dma_semaphore, #tpu.memory_space<semaphore_mem>>
        %dma_start3A_29 = arith.constant 0 : i32
        %dma_start3A_30 = arith.constant 0 : i32
        %dma_start3A_31 = tpu.memref_slice %arg10[%dma_start3A_29, %dma_start3A_30] : memref<10000x128xf32, #tpu.memory_space<vmem_shared>> -> memref<10000x128xf32, #tpu.memory_space<vmem_shared>>
        tpu.enqueue_indirect_dma source(%arg9 : memref<80x128xf32, #tpu.memory_space<vmem>>) target(%dma_start3A_31 : memref<10000x128xf32, #tpu.memory_space<vmem_shared>>) offsets(%arg8 : memref<80xi32, #tpu.memory_space<vmem>>) semaphore(%run_scoped3A : memref<!tpu.dma_semaphore, #tpu.memory_space<semaphore_mem>>) {add = true}
        %dma_wait3A_32 = arith.constant 0 : i32
        %dma_wait3A_33 = arith.constant 0 : i32
        %dma_wait3A_34 = tpu.memref_slice %arg10[%dma_wait3A_32, %dma_wait3A_33] : memref<10000x128xf32, #tpu.memory_space<vmem_shared>> -> memref<10000x128xf32, #tpu.memory_space<vmem_shared>>
        tpu.wait_indirect_dma semaphore(%run_scoped3A : memref<!tpu.dma_semaphore, #tpu.memory_space<semaphore_mem>>) src(%arg9 : memref<80x128xf32, #tpu.memory_space<vmem>>) dst(%dma_wait3A_34 : memref<10000x128xf32, #tpu.memory_space<vmem_shared>>)
        tpu.yield
      }) : () -> ()
    }
    %scan3A_9 = arith.constant 125 : i32
    %barrier3A_10 = arith.constant 0 : index
    tpu.barrier barrier_id(%barrier3A_10)
    %mul3A_11 = arith.constant 10000 : i32
    %mul3A_12 = arith.muli %arg0, %mul3A_11 : i32
    %add3A_13 = arith.addi %mul3A_12, %mul3A_2 : i32
    "tpu.region"() ({
      %run_scoped3A = tpu.sem_alloc : memref<!tpu.dma_semaphore, #tpu.memory_space<semaphore_mem>>
      %dma_start3A = arith.constant 0 : i32
      %dma_start3A_19 = tpu.memref_slice %arg6[%add3A_13, %dma_start3A] : memref<20000x128xf32, #tpu.memory_space<hbm>> -> memref<624x128xf32, #tpu.memory_space<hbm>>
      %dma_start3A_20 = arith.constant 0 : i32
      %dma_start3A_21 = tpu.memref_slice %arg10[%mul3A_2, %dma_start3A_20] : memref<10000x128xf32, #tpu.memory_space<vmem_shared>> -> memref<624x128xf32, #tpu.memory_space<vmem_shared>>
      tpu.enqueue_dma source(%dma_start3A_21 : memref<624x128xf32, #tpu.memory_space<vmem_shared>>) target(%dma_start3A_19 : memref<624x128xf32, #tpu.memory_space<hbm>>) target_semaphore(%run_scoped3A : memref<!tpu.dma_semaphore, #tpu.memory_space<semaphore_mem>>)
      %dma_wait3A = arith.constant 0 : i32
      %dma_wait3A_22 = tpu.memref_slice %arg6[%add3A_13, %dma_wait3A] : memref<20000x128xf32, #tpu.memory_space<hbm>> -> memref<624x128xf32, #tpu.memory_space<hbm>>
      %dma_wait3A_23 = arith.constant 0 : i32
      %dma_wait3A_24 = tpu.memref_slice %arg10[%mul3A_2, %dma_wait3A_23] : memref<10000x128xf32, #tpu.memory_space<vmem_shared>> -> memref<624x128xf32, #tpu.memory_space<vmem_shared>>
      tpu.wait_dma2 semaphore(%run_scoped3A : memref<!tpu.dma_semaphore, #tpu.memory_space<semaphore_mem>>) src(%dma_wait3A_24 : memref<624x128xf32, #tpu.memory_space<vmem_shared>>) dst(%dma_wait3A_22 : memref<624x128xf32, #tpu.memory_space<hbm>>)
      tpu.yield
    }) : () -> ()
    %eq3A_14 = arith.constant 0 : i32
    %eq3A_15 = arith.cmpi eq, %arg1, %eq3A_14 : i32
    %convert_element_type3A_16 = arith.extui %eq3A_15 : i1 to i32
    %cond3A_17 = arith.constant 0 : i32
    %cond3A_18 = arith.cmpi ne, %convert_element_type3A_16, %cond3A_17 : i32
    scf.if %cond3A_18 {
      %mul3A_19 = arith.constant 10000 : i32
      %mul3A_20 = arith.muli %arg0, %mul3A_19 : i32
      %add3A_21 = arith.constant 9984 : i32
      %add3A_22 = arith.addi %mul3A_20, %add3A_21 : i32
      "tpu.region"() ({
        %run_scoped3A = tpu.sem_alloc : memref<!tpu.dma_semaphore, #tpu.memory_space<semaphore_mem>>
        %dma_start3A = arith.constant 0 : i32
        %dma_start3A_23 = tpu.memref_slice %arg6[%add3A_22, %dma_start3A] : memref<20000x128xf32, #tpu.memory_space<hbm>> -> memref<16x128xf32, #tpu.memory_space<hbm>>
        %dma_start3A_24 = arith.constant 9984 : i32
        %dma_start3A_25 = arith.constant 0 : i32
        %dma_start3A_26 = tpu.memref_slice %arg10[%dma_start3A_24, %dma_start3A_25] : memref<10000x128xf32, #tpu.memory_space<vmem_shared>> -> memref<16x128xf32, #tpu.memory_space<vmem_shared>>
        tpu.enqueue_dma source(%dma_start3A_26 : memref<16x128xf32, #tpu.memory_space<vmem_shared>>) target(%dma_start3A_23 : memref<16x128xf32, #tpu.memory_space<hbm>>) target_semaphore(%run_scoped3A : memref<!tpu.dma_semaphore, #tpu.memory_space<semaphore_mem>>)
        %dma_wait3A = arith.constant 0 : i32
        %dma_wait3A_27 = tpu.memref_slice %arg6[%add3A_22, %dma_wait3A] : memref<20000x128xf32, #tpu.memory_space<hbm>> -> memref<16x128xf32, #tpu.memory_space<hbm>>
        %dma_wait3A_28 = arith.constant 9984 : i32
        %dma_wait3A_29 = arith.constant 0 : i32
        %dma_wait3A_30 = tpu.memref_slice %arg10[%dma_wait3A_28, %dma_wait3A_29] : memref<10000x128xf32, #tpu.memory_space<vmem_shared>> -> memref<16x128xf32, #tpu.memory_space<vmem_shared>>
        tpu.wait_dma2 semaphore(%run_scoped3A : memref<!tpu.dma_semaphore, #tpu.memory_space<semaphore_mem>>) src(%dma_wait3A_30 : memref<16x128xf32, #tpu.memory_space<vmem_shared>>) dst(%dma_wait3A_27 : memref<16x128xf32, #tpu.memory_space<hbm>>)
        tpu.yield
      }) : () -> ()
    } else {
    }
    return
  }
}

#map = affine_map<(d0, d1) -> (0, 0)>
#map1 = affine_map<(d0, d1) -> (0)>
module attributes {stable_mosaic.version = 14 : i64} {
  func.func @_sc_aggregate(%arg0: i32, %arg1: i32, %arg2: memref<10000x128xf32, #tpu.memory_space<hbm>>, %arg3: memref<320000xi32, #tpu.memory_space<hbm>>, %arg4: memref<320000xi32, #tpu.memory_space<hbm>>, %arg5: memref<624x128xf32, #tpu.memory_space<hbm>>, %arg6: memref<20000x128xf32, #tpu.memory_space<hbm>>, %arg7: memref<80xi32, #tpu.memory_space<vmem>>, %arg8: memref<80xi32, #tpu.memory_space<vmem>>, %arg9: memref<80x128xf32, #tpu.memory_space<vmem>>, %arg10: memref<10000x128xf32, #tpu.memory_space<vmem_shared>>, %arg11: memref<!tpu.dma_semaphore, #tpu.memory_space<semaphore_mem>>) attributes {dimension_semantics = [#tpu.dimension_semantics<core_parallel>, #tpu.dimension_semantics<subcore_parallel>], iteration_bounds = array<i64: 2, 16>, scalar_prefetch = 0 : i64, scratch_operands = 5 : i64, tpu.core_type = #tpu.core_type<sc_vector_subcore>, window_params = [{transform_indices = #map}, {transform_indices = #map1}, {transform_indices = #map1}, {transform_indices = #map}, {transform_indices = #map}]} {
    %mul3A = arith.constant 2 : i32
    %mul3A_0 = arith.muli %arg1, %mul3A : i32
    %add3A = arith.addi %mul3A_0, %arg0 : i32
    %mul3A_1 = arith.constant 624 : i32
    %mul3A_2 = arith.muli %arg1, %mul3A_1 : i32
    "tpu.region"() ({
      %run_scoped3A = tpu.sem_alloc : memref<!tpu.dma_semaphore, #tpu.memory_space<semaphore_mem>>
      %dma_start3A = arith.constant 0 : i32
      %dma_start3A_19 = tpu.memref_slice %arg10[%mul3A_2, %dma_start3A] : memref<10000x128xf32, #tpu.memory_space<vmem_shared>> -> memref<624x128xf32, #tpu.memory_space<vmem_shared>>
      tpu.enqueue_dma source(%arg5 : memref<624x128xf32, #tpu.memory_space<hbm>>) target(%dma_start3A_19 : memref<624x128xf32, #tpu.memory_space<vmem_shared>>) target_semaphore(%run_scoped3A : memref<!tpu.dma_semaphore, #tpu.memory_space<semaphore_mem>>)
      %dma_wait3A = arith.constant 0 : i32
      %dma_wait3A_20 = tpu.memref_slice %arg10[%mul3A_2, %dma_wait3A] : memref<10000x128xf32, #tpu.memory_space<vmem_shared>> -> memref<624x128xf32, #tpu.memory_space<vmem_shared>>
      tpu.wait_dma2 semaphore(%run_scoped3A : memref<!tpu.dma_semaphore, #tpu.memory_space<semaphore_mem>>) src(%arg5 : memref<624x128xf32, #tpu.memory_space<hbm>>) dst(%dma_wait3A_20 : memref<624x128xf32, #tpu.memory_space<vmem_shared>>)
      tpu.yield
    }) : () -> ()
    %eq3A = arith.constant 0 : i32
    %eq3A_3 = arith.cmpi eq, %arg1, %eq3A : i32
    %convert_element_type3A = arith.extui %eq3A_3 : i1 to i32
    %cond3A = arith.constant 0 : i32
    %cond3A_4 = arith.cmpi ne, %convert_element_type3A, %cond3A : i32
    scf.if %cond3A_4 {
      "tpu.region"() ({
        %run_scoped3A = tpu.sem_alloc : memref<!tpu.dma_semaphore, #tpu.memory_space<semaphore_mem>>
        %dma_start3A = arith.constant 9984 : i32
        %dma_start3A_19 = arith.constant 0 : i32
        %dma_start3A_20 = tpu.memref_slice %arg10[%dma_start3A, %dma_start3A_19] : memref<10000x128xf32, #tpu.memory_space<vmem_shared>> -> memref<16x128xf32, #tpu.memory_space<vmem_shared>>
        %dma_start3A_21 = arith.constant 0 : i32
        %dma_start3A_22 = arith.constant 0 : i32
        %dma_start3A_23 = tpu.memref_slice %arg5[%dma_start3A_21, %dma_start3A_22] : memref<624x128xf32, #tpu.memory_space<hbm>> -> memref<16x128xf32, #tpu.memory_space<hbm>>
        tpu.enqueue_dma source(%dma_start3A_23 : memref<16x128xf32, #tpu.memory_space<hbm>>) target(%dma_start3A_20 : memref<16x128xf32, #tpu.memory_space<vmem_shared>>) target_semaphore(%run_scoped3A : memref<!tpu.dma_semaphore, #tpu.memory_space<semaphore_mem>>)
        %dma_wait3A = arith.constant 9984 : i32
        %dma_wait3A_24 = arith.constant 0 : i32
        %dma_wait3A_25 = tpu.memref_slice %arg10[%dma_wait3A, %dma_wait3A_24] : memref<10000x128xf32, #tpu.memory_space<vmem_shared>> -> memref<16x128xf32, #tpu.memory_space<vmem_shared>>
        %dma_wait3A_26 = arith.constant 0 : i32
        %dma_wait3A_27 = arith.constant 0 : i32
        %dma_wait3A_28 = tpu.memref_slice %arg5[%dma_wait3A_26, %dma_wait3A_27] : memref<624x128xf32, #tpu.memory_space<hbm>> -> memref<16x128xf32, #tpu.memory_space<hbm>>
        tpu.wait_dma2 semaphore(%run_scoped3A : memref<!tpu.dma_semaphore, #tpu.memory_space<semaphore_mem>>) src(%dma_wait3A_28 : memref<16x128xf32, #tpu.memory_space<hbm>>) dst(%dma_wait3A_25 : memref<16x128xf32, #tpu.memory_space<vmem_shared>>)
        tpu.yield
      }) : () -> ()
    } else {
    }
    %barrier3A = arith.constant 0 : index
    tpu.barrier barrier_id(%barrier3A)
    %scan3A = arith.constant 0 : i32
    %scan3A_5 = arith.constant 0 : i32
    %scan3A_6 = arith.constant 125 : i32
    %scan3A_7 = arith.addi %scan3A_5, %scan3A_6 : i32
    %scan3A_8 = arith.constant 1 : i32
    scf.for %scan3A_19 = %scan3A_5 to %scan3A_7 step %scan3A_8  : i32 {
      %mul3A_20 = arith.constant 10000 : i32
      %mul3A_21 = arith.muli %add3A, %mul3A_20 : i32
      %mul3A_22 = arith.constant 80 : i32
      %mul3A_23 = arith.muli %scan3A_19, %mul3A_22 : i32
      %add3A_24 = arith.addi %mul3A_21, %mul3A_23 : i32
      "tpu.region"() ({
        %run_scoped3A = tpu.sem_alloc : memref<!tpu.dma_semaphore, #tpu.memory_space<semaphore_mem>>
        %dma_start3A_29 = tpu.memref_slice %arg3[%add3A_24] : memref<320000xi32, #tpu.memory_space<hbm>> -> memref<80xi32, #tpu.memory_space<hbm>>
        %dma_start3A_30 = tpu.memref_slice %arg3[%add3A_24] : memref<320000xi32, #tpu.memory_space<hbm>> -> memref<80xi32, #tpu.memory_space<hbm>>
        tpu.enqueue_dma source(%dma_start3A_30 : memref<80xi32, #tpu.memory_space<hbm>>) target(%arg7 : memref<80xi32, #tpu.memory_space<vmem>>) target_semaphore(%run_scoped3A : memref<!tpu.dma_semaphore, #tpu.memory_space<semaphore_mem>>)
        %dma_wait3A_31 = tpu.memref_slice %arg3[%add3A_24] : memref<320000xi32, #tpu.memory_space<hbm>> -> memref<80xi32, #tpu.memory_space<hbm>>
        %dma_wait3A_32 = tpu.memref_slice %arg3[%add3A_24] : memref<320000xi32, #tpu.memory_space<hbm>> -> memref<80xi32, #tpu.memory_space<hbm>>
        tpu.wait_dma2 semaphore(%run_scoped3A : memref<!tpu.dma_semaphore, #tpu.memory_space<semaphore_mem>>) src(%dma_wait3A_32 : memref<80xi32, #tpu.memory_space<hbm>>) dst(%arg7 : memref<80xi32, #tpu.memory_space<vmem>>)
        tpu.yield
      }) : () -> ()
      "tpu.region"() ({
        %run_scoped3A = tpu.sem_alloc : memref<!tpu.dma_semaphore, #tpu.memory_space<semaphore_mem>>
        %dma_start3A_29 = tpu.memref_slice %arg4[%add3A_24] : memref<320000xi32, #tpu.memory_space<hbm>> -> memref<80xi32, #tpu.memory_space<hbm>>
        %dma_start3A_30 = tpu.memref_slice %arg4[%add3A_24] : memref<320000xi32, #tpu.memory_space<hbm>> -> memref<80xi32, #tpu.memory_space<hbm>>
        tpu.enqueue_dma source(%dma_start3A_30 : memref<80xi32, #tpu.memory_space<hbm>>) target(%arg8 : memref<80xi32, #tpu.memory_space<vmem>>) target_semaphore(%run_scoped3A : memref<!tpu.dma_semaphore, #tpu.memory_space<semaphore_mem>>)
        %dma_wait3A_31 = tpu.memref_slice %arg4[%add3A_24] : memref<320000xi32, #tpu.memory_space<hbm>> -> memref<80xi32, #tpu.memory_space<hbm>>
        %dma_wait3A_32 = tpu.memref_slice %arg4[%add3A_24] : memref<320000xi32, #tpu.memory_space<hbm>> -> memref<80xi32, #tpu.memory_space<hbm>>
        tpu.wait_dma2 semaphore(%run_scoped3A : memref<!tpu.dma_semaphore, #tpu.memory_space<semaphore_mem>>) src(%dma_wait3A_32 : memref<80xi32, #tpu.memory_space<hbm>>) dst(%arg8 : memref<80xi32, #tpu.memory_space<vmem>>)
        tpu.yield
      }) : () -> ()
      %dma_start3A = arith.constant 0 : i32
      %dma_start3A_25 = arith.constant 0 : i32
      %dma_start3A_26 = tpu.memref_slice %arg2[%dma_start3A, %dma_start3A_25] : memref<10000x128xf32, #tpu.memory_space<hbm>> -> memref<10000x128xf32, #tpu.memory_space<hbm>>
      tpu.enqueue_indirect_dma source(%dma_start3A_26 : memref<10000x128xf32, #tpu.memory_space<hbm>>) target(%arg9 : memref<80x128xf32, #tpu.memory_space<vmem>>) offsets(%arg7 : memref<80xi32, #tpu.memory_space<vmem>>) semaphore(%arg11 : memref<!tpu.dma_semaphore, #tpu.memory_space<semaphore_mem>>)
      %dma_wait3A = arith.constant 0 : i32
      %dma_wait3A_27 = arith.constant 0 : i32
      %dma_wait3A_28 = tpu.memref_slice %arg2[%dma_wait3A, %dma_wait3A_27] : memref<10000x128xf32, #tpu.memory_space<hbm>> -> memref<10000x128xf32, #tpu.memory_space<hbm>>
      tpu.wait_indirect_dma semaphore(%arg11 : memref<!tpu.dma_semaphore, #tpu.memory_space<semaphore_mem>>) src(%dma_wait3A_28 : memref<10000x128xf32, #tpu.memory_space<hbm>>) dst(%arg9 : memref<80x128xf32, #tpu.memory_space<vmem>>)
      "tpu.region"() ({
        %run_scoped3A = tpu.sem_alloc : memref<!tpu.dma_semaphore, #tpu.memory_space<semaphore_mem>>
        %dma_start3A_29 = arith.constant 0 : i32
        %dma_start3A_30 = arith.constant 0 : i32
        %dma_start3A_31 = tpu.memref_slice %arg10[%dma_start3A_29, %dma_start3A_30] : memref<10000x128xf32, #tpu.memory_space<vmem_shared>> -> memref<10000x128xf32, #tpu.memory_space<vmem_shared>>
        tpu.enqueue_indirect_dma source(%arg9 : memref<80x128xf32, #tpu.memory_space<vmem>>) target(%dma_start3A_31 : memref<10000x128xf32, #tpu.memory_space<vmem_shared>>) offsets(%arg8 : memref<80xi32, #tpu.memory_space<vmem>>) semaphore(%run_scoped3A : memref<!tpu.dma_semaphore, #tpu.memory_space<semaphore_mem>>) {add = true}
        %dma_wait3A_32 = arith.constant 0 : i32
        %dma_wait3A_33 = arith.constant 0 : i32
        %dma_wait3A_34 = tpu.memref_slice %arg10[%dma_wait3A_32, %dma_wait3A_33] : memref<10000x128xf32, #tpu.memory_space<vmem_shared>> -> memref<10000x128xf32, #tpu.memory_space<vmem_shared>>
        tpu.wait_indirect_dma semaphore(%run_scoped3A : memref<!tpu.dma_semaphore, #tpu.memory_space<semaphore_mem>>) src(%arg9 : memref<80x128xf32, #tpu.memory_space<vmem>>) dst(%dma_wait3A_34 : memref<10000x128xf32, #tpu.memory_space<vmem_shared>>)
        tpu.yield
      }) : () -> ()
    }
    %scan3A_9 = arith.constant 125 : i32
    %barrier3A_10 = arith.constant 0 : index
    tpu.barrier barrier_id(%barrier3A_10)
    %mul3A_11 = arith.constant 10000 : i32
    %mul3A_12 = arith.muli %arg0, %mul3A_11 : i32
    %add3A_13 = arith.addi %mul3A_12, %mul3A_2 : i32
    "tpu.region"() ({
      %run_scoped3A = tpu.sem_alloc : memref<!tpu.dma_semaphore, #tpu.memory_space<semaphore_mem>>
      %dma_start3A = arith.constant 0 : i32
      %dma_start3A_19 = tpu.memref_slice %arg6[%add3A_13, %dma_start3A] : memref<20000x128xf32, #tpu.memory_space<hbm>> -> memref<624x128xf32, #tpu.memory_space<hbm>>
      %dma_start3A_20 = arith.constant 0 : i32
      %dma_start3A_21 = tpu.memref_slice %arg10[%mul3A_2, %dma_start3A_20] : memref<10000x128xf32, #tpu.memory_space<vmem_shared>> -> memref<624x128xf32, #tpu.memory_space<vmem_shared>>
      tpu.enqueue_dma source(%dma_start3A_21 : memref<624x128xf32, #tpu.memory_space<vmem_shared>>) target(%dma_start3A_19 : memref<624x128xf32, #tpu.memory_space<hbm>>) target_semaphore(%run_scoped3A : memref<!tpu.dma_semaphore, #tpu.memory_space<semaphore_mem>>)
      %dma_wait3A = arith.constant 0 : i32
      %dma_wait3A_22 = tpu.memref_slice %arg6[%add3A_13, %dma_wait3A] : memref<20000x128xf32, #tpu.memory_space<hbm>> -> memref<624x128xf32, #tpu.memory_space<hbm>>
      %dma_wait3A_23 = arith.constant 0 : i32
      %dma_wait3A_24 = tpu.memref_slice %arg10[%mul3A_2, %dma_wait3A_23] : memref<10000x128xf32, #tpu.memory_space<vmem_shared>> -> memref<624x128xf32, #tpu.memory_space<vmem_shared>>
      tpu.wait_dma2 semaphore(%run_scoped3A : memref<!tpu.dma_semaphore, #tpu.memory_space<semaphore_mem>>) src(%dma_wait3A_24 : memref<624x128xf32, #tpu.memory_space<vmem_shared>>) dst(%dma_wait3A_22 : memref<624x128xf32, #tpu.memory_space<hbm>>)
      tpu.yield
    }) : () -> ()
    %eq3A_14 = arith.constant 0 : i32
    %eq3A_15 = arith.cmpi eq, %arg1, %eq3A_14 : i32
    %convert_element_type3A_16 = arith.extui %eq3A_15 : i1 to i32
    %cond3A_17 = arith.constant 0 : i32
    %cond3A_18 = arith.cmpi ne, %convert_element_type3A_16, %cond3A_17 : i32
    scf.if %cond3A_18 {
      %mul3A_19 = arith.constant 10000 : i32
      %mul3A_20 = arith.muli %arg0, %mul3A_19 : i32
      %add3A_21 = arith.constant 9984 : i32
      %add3A_22 = arith.addi %mul3A_20, %add3A_21 : i32
      "tpu.region"() ({
        %run_scoped3A = tpu.sem_alloc : memref<!tpu.dma_semaphore, #tpu.memory_space<semaphore_mem>>
        %dma_start3A = arith.constant 0 : i32
        %dma_start3A_23 = tpu.memref_slice %arg6[%add3A_22, %dma_start3A] : memref<20000x128xf32, #tpu.memory_space<hbm>> -> memref<16x128xf32, #tpu.memory_space<hbm>>
        %dma_start3A_24 = arith.constant 9984 : i32
        %dma_start3A_25 = arith.constant 0 : i32
        %dma_start3A_26 = tpu.memref_slice %arg10[%dma_start3A_24, %dma_start3A_25] : memref<10000x128xf32, #tpu.memory_space<vmem_shared>> -> memref<16x128xf32, #tpu.memory_space<vmem_shared>>
        tpu.enqueue_dma source(%dma_start3A_26 : memref<16x128xf32, #tpu.memory_space<vmem_shared>>) target(%dma_start3A_23 : memref<16x128xf32, #tpu.memory_space<hbm>>) target_semaphore(%run_scoped3A : memref<!tpu.dma_semaphore, #tpu.memory_space<semaphore_mem>>)
        %dma_wait3A = arith.constant 0 : i32
        %dma_wait3A_27 = tpu.memref_slice %arg6[%add3A_22, %dma_wait3A] : memref<20000x128xf32, #tpu.memory_space<hbm>> -> memref<16x128xf32, #tpu.memory_space<hbm>>
        %dma_wait3A_28 = arith.constant 9984 : i32
        %dma_wait3A_29 = arith.constant 0 : i32
        %dma_wait3A_30 = tpu.memref_slice %arg10[%dma_wait3A_28, %dma_wait3A_29] : memref<10000x128xf32, #tpu.memory_space<vmem_shared>> -> memref<16x128xf32, #tpu.memory_space<vmem_shared>>
        tpu.wait_dma2 semaphore(%run_scoped3A : memref<!tpu.dma_semaphore, #tpu.memory_space<semaphore_mem>>) src(%dma_wait3A_30 : memref<16x128xf32, #tpu.memory_space<vmem_shared>>) dst(%dma_wait3A_27 : memref<16x128xf32, #tpu.memory_space<hbm>>)
        tpu.yield
      }) : () -> ()
    } else {
    }
    return
  }
}

module attributes {stable_mosaic.version = 14 : i64} {
  func.func @body(%arg0: i32, %arg1: memref<1xf32, #tpu.memory_space<smem>>, %arg2: memref<1000x128xf32, #tpu.memory_space<vmem>>, %arg3: memref<1000x128xf32, #tpu.memory_space<vmem>>, %arg4: memref<1000x128xf32, #tpu.memory_space<vmem>>, %arg5: memref<128x128xf32, #tpu.memory_space<vmem>>, %arg6: memref<1x128xf32, #tpu.memory_space<vmem>>, %arg7: memref<128x128xf32, #tpu.memory_space<vmem>>, %arg8: memref<1x128xf32, #tpu.memory_space<vmem>>, %arg9: memref<1000x128xf32, #tpu.memory_space<vmem>>) attributes {dimension_semantics = [#tpu.dimension_semantics<arbitrary>], iteration_bounds = array<i64: 10>, scalar_prefetch = 0 : i64, scratch_operands = 0 : i64, tpu.core_type = #tpu.core_type<tc>, window_params = [{transform_indices = @transform_0, window_bounds = array<i64: 1>}, {transform_indices = @transform_1, window_bounds = array<i64: 1000, 128>}, {transform_indices = @transform_2, window_bounds = array<i64: 1000, 128>}, {transform_indices = @transform_3, window_bounds = array<i64: 1000, 128>}, {pipeline_mode = #tpu.pipeline_mode<synchronous>, transform_indices = @transform_4, window_bounds = array<i64: 128, 128>}, {pipeline_mode = #tpu.pipeline_mode<synchronous>, transform_indices = @transform_5, window_bounds = array<i64: 1, 128>}, {pipeline_mode = #tpu.pipeline_mode<synchronous>, transform_indices = @transform_6, window_bounds = array<i64: 128, 128>}, {pipeline_mode = #tpu.pipeline_mode<synchronous>, transform_indices = @transform_7, window_bounds = array<i64: 1, 128>}, {transform_indices = @transform_8, window_bounds = array<i64: 1000, 128>}]} {
    %get3A = arith.constant 0 : index
    %get3A_0 = memref.load %arg1[%get3A] : memref<1xf32, #tpu.memory_space<smem>>
    %add3A = arith.constant 1.000000e+00 : f32
    %add3A_1 = arith.addf %add3A, %get3A_0 : f32
    %get3A_2 = arith.constant 0 : index
    %get3A_3 = arith.constant 0 : index
    %get3A_4 = vector.load %arg2[%get3A_2, %get3A_3] : memref<1000x128xf32, #tpu.memory_space<vmem>>, vector<1000x128xf32>
    %mul3A = vector.broadcast %add3A_1 : f32 to vector<1000x128xf32>
    %mul3A_5 = arith.mulf %mul3A, %get3A_4 : vector<1000x128xf32>
    %get3A_6 = arith.constant 0 : index
    %get3A_7 = arith.constant 0 : index
    %get3A_8 = vector.load %arg3[%get3A_6, %get3A_7] : memref<1000x128xf32, #tpu.memory_space<vmem>>, vector<1000x128xf32>
    %add3A_9 = arith.addf %mul3A_5, %get3A_8 : vector<1000x128xf32>
    %get3A_10 = arith.constant 0 : index
    %get3A_11 = arith.constant 0 : index
    %get3A_12 = vector.load %arg4[%get3A_10, %get3A_11] : memref<1000x128xf32, #tpu.memory_space<vmem>>, vector<1000x128xf32>
    %add3A_13 = arith.addf %add3A_9, %get3A_12 : vector<1000x128xf32>
    %get3A_14 = arith.constant 0 : index
    %get3A_15 = arith.constant 0 : index
    %get3A_16 = vector.load %arg5[%get3A_14, %get3A_15] : memref<128x128xf32, #tpu.memory_space<vmem>>, vector<128x128xf32>
    %dot_general3A = arith.constant dense<0.000000e+00> : vector<1000x128xf32>
    %dot_general3A_17 = tpu.matmul %add3A_13, %get3A_16, %dot_general3A {dimension_numbers = #tpu.dot_dimension_numbers<[1], [0], [0], [1], [0, 0, 1, 1], [], []>, transpose_lhs_hint = false} : vector<1000x128xf32>, vector<128x128xf32>, vector<1000x128xf32> -> vector<1000x128xf32>
    %get3A_18 = arith.constant 0 : index
    %get3A_19 = arith.constant 0 : index
    %get3A_20 = vector.load %arg6[%get3A_18, %get3A_19] : memref<1x128xf32, #tpu.memory_space<vmem>>, vector<1x128xf32>
    %add3A_21 = vector.broadcast %get3A_20 : vector<1x128xf32> to vector<1000x128xf32>
    %add3A_22 = arith.addf %dot_general3A_17, %add3A_21 : vector<1000x128xf32>
    %max3A = arith.constant 0.000000e+00 : f32
    %max3A_23 = vector.broadcast %max3A : f32 to vector<1000x128xf32>
    %max3A_24 = arith.maximumf %add3A_22, %max3A_23 : vector<1000x128xf32>
    %get3A_25 = arith.constant 0 : index
    %get3A_26 = arith.constant 0 : index
    %get3A_27 = vector.load %arg7[%get3A_25, %get3A_26] : memref<128x128xf32, #tpu.memory_space<vmem>>, vector<128x128xf32>
    %dot_general3A_28 = arith.constant dense<0.000000e+00> : vector<1000x128xf32>
    %dot_general3A_29 = tpu.matmul %max3A_24, %get3A_27, %dot_general3A_28 {dimension_numbers = #tpu.dot_dimension_numbers<[1], [0], [0], [1], [0, 0, 1, 1], [], []>, transpose_lhs_hint = false} : vector<1000x128xf32>, vector<128x128xf32>, vector<1000x128xf32> -> vector<1000x128xf32>
    %get3A_30 = arith.constant 0 : index
    %get3A_31 = arith.constant 0 : index
    %get3A_32 = vector.load %arg8[%get3A_30, %get3A_31] : memref<1x128xf32, #tpu.memory_space<vmem>>, vector<1x128xf32>
    %add3A_33 = vector.broadcast %get3A_32 : vector<1x128xf32> to vector<1000x128xf32>
    %add3A_34 = arith.addf %dot_general3A_29, %add3A_33 : vector<1000x128xf32>
    %max3A_35 = arith.constant 0.000000e+00 : f32
    %max3A_36 = vector.broadcast %max3A_35 : f32 to vector<1000x128xf32>
    %max3A_37 = arith.maximumf %add3A_34, %max3A_36 : vector<1000x128xf32>
    %swap3A = arith.constant 0 : index
    %swap3A_38 = arith.constant 0 : index
    %swap3A_39 = vector.load %arg9[%swap3A, %swap3A_38] : memref<1000x128xf32, #tpu.memory_space<vmem>>, vector<1000x128xf32>
    tpu.vector_store %arg9[%swap3A, %swap3A_38], %max3A_37 {strides = array<i32>} : memref<1000x128xf32, #tpu.memory_space<vmem>>, vector<1000x128xf32>,
    return
  }
  func.func @transform_0(%arg0: i32) -> i32 {
    %c0_i32 = arith.constant 0 : i32
    %c0_i32_0 = arith.constant 0 : i32
    return %c0_i32 : i32
  }
  func.func @transform_1(%arg0: i32) -> (i32, i32) {
    %c0_i32 = arith.constant 0 : i32
    %c0_i32_0 = arith.constant 0 : i32
    return %arg0, %c0_i32 : i32, i32
  }
  func.func @transform_2(%arg0: i32) -> (i32, i32) {
    %c0_i32 = arith.constant 0 : i32
    %c0_i32_0 = arith.constant 0 : i32
    return %arg0, %c0_i32 : i32, i32
  }
  func.func @transform_3(%arg0: i32) -> (i32, i32) {
    %c0_i32 = arith.constant 0 : i32
    %c0_i32_0 = arith.constant 0 : i32
    return %arg0, %c0_i32 : i32, i32
  }
  func.func @transform_4(%arg0: i32) -> (i32, i32) {
    %c0_i32 = arith.constant 0 : i32
    %c0_i32_0 = arith.constant 0 : i32
    %c0_i32_1 = arith.constant 0 : i32
    return %c0_i32, %c0_i32_0 : i32, i32
  }
  func.func @transform_5(%arg0: i32) -> (i32, i32) {
    %c0_i32 = arith.constant 0 : i32
    %c0_i32_0 = arith.constant 0 : i32
    %c0_i32_1 = arith.constant 0 : i32
    return %c0_i32, %c0_i32_0 : i32, i32
  }
  func.func @transform_6(%arg0: i32) -> (i32, i32) {
    %c0_i32 = arith.constant 0 : i32
    %c0_i32_0 = arith.constant 0 : i32
    %c0_i32_1 = arith.constant 0 : i32
    return %c0_i32, %c0_i32_0 : i32, i32
  }
  func.func @transform_7(%arg0: i32) -> (i32, i32) {
    %c0_i32 = arith.constant 0 : i32
    %c0_i32_0 = arith.constant 0 : i32
    %c0_i32_1 = arith.constant 0 : i32
    return %c0_i32, %c0_i32_0 : i32, i32
  }
  func.func @transform_8(%arg0: i32) -> (i32, i32) {
    %c0_i32 = arith.constant 0 : i32
    %c0_i32_0 = arith.constant 0 : i32
    return %arg0, %c0_i32 : i32, i32
  }
}

module attributes {stable_mosaic.version = 14 : i64} {
  func.func @body(%arg0: i32, %arg1: memref<1xf32, #tpu.memory_space<smem>>, %arg2: memref<1000x128xf32, #tpu.memory_space<vmem>>, %arg3: memref<1000x128xf32, #tpu.memory_space<vmem>>, %arg4: memref<1000x128xf32, #tpu.memory_space<vmem>>, %arg5: memref<128x128xf32, #tpu.memory_space<vmem>>, %arg6: memref<1x128xf32, #tpu.memory_space<vmem>>, %arg7: memref<128x128xf32, #tpu.memory_space<vmem>>, %arg8: memref<1x128xf32, #tpu.memory_space<vmem>>, %arg9: memref<1000x128xf32, #tpu.memory_space<vmem>>) attributes {dimension_semantics = [#tpu.dimension_semantics<arbitrary>], iteration_bounds = array<i64: 10>, scalar_prefetch = 0 : i64, scratch_operands = 0 : i64, tpu.core_type = #tpu.core_type<tc>, window_params = [{transform_indices = @transform_0, window_bounds = array<i64: 1>}, {transform_indices = @transform_1, window_bounds = array<i64: 1000, 128>}, {transform_indices = @transform_2, window_bounds = array<i64: 1000, 128>}, {transform_indices = @transform_3, window_bounds = array<i64: 1000, 128>}, {pipeline_mode = #tpu.pipeline_mode<synchronous>, transform_indices = @transform_4, window_bounds = array<i64: 128, 128>}, {pipeline_mode = #tpu.pipeline_mode<synchronous>, transform_indices = @transform_5, window_bounds = array<i64: 1, 128>}, {pipeline_mode = #tpu.pipeline_mode<synchronous>, transform_indices = @transform_6, window_bounds = array<i64: 128, 128>}, {pipeline_mode = #tpu.pipeline_mode<synchronous>, transform_indices = @transform_7, window_bounds = array<i64: 1, 128>}, {transform_indices = @transform_8, window_bounds = array<i64: 1000, 128>}]} {
    %get3A = arith.constant 0 : index
    %get3A_0 = memref.load %arg1[%get3A] : memref<1xf32, #tpu.memory_space<smem>>
    %add3A = arith.constant 1.000000e+00 : f32
    %add3A_1 = arith.addf %add3A, %get3A_0 : f32
    %get3A_2 = arith.constant 0 : index
    %get3A_3 = arith.constant 0 : index
    %get3A_4 = vector.load %arg2[%get3A_2, %get3A_3] : memref<1000x128xf32, #tpu.memory_space<vmem>>, vector<1000x128xf32>
    %mul3A = vector.broadcast %add3A_1 : f32 to vector<1000x128xf32>
    %mul3A_5 = arith.mulf %mul3A, %get3A_4 : vector<1000x128xf32>
    %get3A_6 = arith.constant 0 : index
    %get3A_7 = arith.constant 0 : index
    %get3A_8 = vector.load %arg3[%get3A_6, %get3A_7] : memref<1000x128xf32, #tpu.memory_space<vmem>>, vector<1000x128xf32>
    %add3A_9 = arith.addf %mul3A_5, %get3A_8 : vector<1000x128xf32>
    %get3A_10 = arith.constant 0 : index
    %get3A_11 = arith.constant 0 : index
    %get3A_12 = vector.load %arg4[%get3A_10, %get3A_11] : memref<1000x128xf32, #tpu.memory_space<vmem>>, vector<1000x128xf32>
    %add3A_13 = arith.addf %add3A_9, %get3A_12 : vector<1000x128xf32>
    %get3A_14 = arith.constant 0 : index
    %get3A_15 = arith.constant 0 : index
    %get3A_16 = vector.load %arg5[%get3A_14, %get3A_15] : memref<128x128xf32, #tpu.memory_space<vmem>>, vector<128x128xf32>
    %dot_general3A = arith.constant dense<0.000000e+00> : vector<1000x128xf32>
    %dot_general3A_17 = tpu.matmul %add3A_13, %get3A_16, %dot_general3A {dimension_numbers = #tpu.dot_dimension_numbers<[1], [0], [0], [1], [0, 0, 1, 1], [], []>, transpose_lhs_hint = false} : vector<1000x128xf32>, vector<128x128xf32>, vector<1000x128xf32> -> vector<1000x128xf32>
    %get3A_18 = arith.constant 0 : index
    %get3A_19 = arith.constant 0 : index
    %get3A_20 = vector.load %arg6[%get3A_18, %get3A_19] : memref<1x128xf32, #tpu.memory_space<vmem>>, vector<1x128xf32>
    %add3A_21 = vector.broadcast %get3A_20 : vector<1x128xf32> to vector<1000x128xf32>
    %add3A_22 = arith.addf %dot_general3A_17, %add3A_21 : vector<1000x128xf32>
    %max3A = arith.constant 0.000000e+00 : f32
    %max3A_23 = vector.broadcast %max3A : f32 to vector<1000x128xf32>
    %max3A_24 = arith.maximumf %add3A_22, %max3A_23 : vector<1000x128xf32>
    %get3A_25 = arith.constant 0 : index
    %get3A_26 = arith.constant 0 : index
    %get3A_27 = vector.load %arg7[%get3A_25, %get3A_26] : memref<128x128xf32, #tpu.memory_space<vmem>>, vector<128x128xf32>
    %dot_general3A_28 = arith.constant dense<0.000000e+00> : vector<1000x128xf32>
    %dot_general3A_29 = tpu.matmul %max3A_24, %get3A_27, %dot_general3A_28 {dimension_numbers = #tpu.dot_dimension_numbers<[1], [0], [0], [1], [0, 0, 1, 1], [], []>, transpose_lhs_hint = false} : vector<1000x128xf32>, vector<128x128xf32>, vector<1000x128xf32> -> vector<1000x128xf32>
    %get3A_30 = arith.constant 0 : index
    %get3A_31 = arith.constant 0 : index
    %get3A_32 = vector.load %arg8[%get3A_30, %get3A_31] : memref<1x128xf32, #tpu.memory_space<vmem>>, vector<1x128xf32>
    %add3A_33 = vector.broadcast %get3A_32 : vector<1x128xf32> to vector<1000x128xf32>
    %add3A_34 = arith.addf %dot_general3A_29, %add3A_33 : vector<1000x128xf32>
    %iota3A = tpu.iota {dimensions = array<i32: 1>} : vector<1000x128xi32>
    %lt3A = arith.constant 40 : i32
    %lt3A_35 = vector.broadcast %lt3A : i32 to vector<1000x128xi32>
    %lt3A_36 = arith.cmpi slt, %iota3A, %lt3A_35 : vector<1000x128xi32>
    %jit3A = arith.constant 0xFF800000 : f32
    %broadcast_in_dim3A = vector.broadcast %jit3A : f32 to vector<1000x128xf32>
    %select_n3A = arith.select %lt3A_36, %add3A_34, %broadcast_in_dim3A : vector<1000x128xi1>, vector<1000x128xf32>
    %reduce_max3A = arith.constant dense<0xFF800000> : vector<1000xf32>
    %reduce_max3A_37 = vector.multi_reduction <maximumf>, %select_n3A, %reduce_max3A [1] : vector<1000x128xf32> to vector<1000xf32>
    %broadcast_in_dim3A_38 = vector.shape_cast %reduce_max3A_37 : vector<1000xf32> to vector<1000x1xf32>
    %sub3A = vector.broadcast %broadcast_in_dim3A_38 : vector<1000x1xf32> to vector<1000x128xf32>
    %sub3A_39 = arith.subf %select_n3A, %sub3A : vector<1000x128xf32>
    %exp3A = math.exp %sub3A_39 : vector<1000x128xf32>
    %jit3A_40 = arith.constant 0.000000e+00 : f32
    %broadcast_in_dim3A_41 = vector.broadcast %jit3A_40 : f32 to vector<1000x128xf32>
    %select_n3A_42 = arith.select %lt3A_36, %exp3A, %broadcast_in_dim3A_41 : vector<1000x128xi1>, vector<1000x128xf32>
    %reduce_sum3A = arith.constant dense<0.000000e+00> : vector<1000xf32>
    %reduce_sum3A_43 = vector.multi_reduction <add>, %select_n3A_42, %reduce_sum3A [1] : vector<1000x128xf32> to vector<1000xf32>
    %broadcast_in_dim3A_44 = vector.shape_cast %reduce_sum3A_43 : vector<1000xf32> to vector<1000x1xf32>
    %log3A = math.log %broadcast_in_dim3A_44 : vector<1000x1xf32>
    %add3A_45 = arith.addf %broadcast_in_dim3A_38, %log3A : vector<1000x1xf32>
    %sub3A_46 = vector.broadcast %add3A_45 : vector<1000x1xf32> to vector<1000x128xf32>
    %sub3A_47 = arith.subf %add3A_34, %sub3A_46 : vector<1000x128xf32>
    %swap3A = arith.constant 0 : index
    %swap3A_48 = arith.constant 0 : index
    %swap3A_49 = vector.load %arg9[%swap3A, %swap3A_48] : memref<1000x128xf32, #tpu.memory_space<vmem>>, vector<1000x128xf32>
    tpu.vector_store %arg9[%swap3A, %swap3A_48], %sub3A_47 {strides = array<i32>} : memref<1000x128xf32, #tpu.memory_space<vmem>>, vector<1000x128xf32>,
    return
  }
  func.func @transform_0(%arg0: i32) -> i32 {
    %c0_i32 = arith.constant 0 : i32
    %c0_i32_0 = arith.constant 0 : i32
    return %c0_i32 : i32
  }
  func.func @transform_1(%arg0: i32) -> (i32, i32) {
    %c0_i32 = arith.constant 0 : i32
    %c0_i32_0 = arith.constant 0 : i32
    return %arg0, %c0_i32 : i32, i32
  }
  func.func @transform_2(%arg0: i32) -> (i32, i32) {
    %c0_i32 = arith.constant 0 : i32
    %c0_i32_0 = arith.constant 0 : i32
    return %arg0, %c0_i32 : i32, i32
  }
  func.func @transform_3(%arg0: i32) -> (i32, i32) {
    %c0_i32 = arith.constant 0 : i32
    %c0_i32_0 = arith.constant 0 : i32
    return %arg0, %c0_i32 : i32, i32
  }
  func.func @transform_4(%arg0: i32) -> (i32, i32) {
    %c0_i32 = arith.constant 0 : i32
    %c0_i32_0 = arith.constant 0 : i32
    %c0_i32_1 = arith.constant 0 : i32
    return %c0_i32, %c0_i32_0 : i32, i32
  }
  func.func @transform_5(%arg0: i32) -> (i32, i32) {
    %c0_i32 = arith.constant 0 : i32
    %c0_i32_0 = arith.constant 0 : i32
    %c0_i32_1 = arith.constant 0 : i32
    return %c0_i32, %c0_i32_0 : i32, i32
  }
  func.func @transform_6(%arg0: i32) -> (i32, i32) {
    %c0_i32 = arith.constant 0 : i32
    %c0_i32_0 = arith.constant 0 : i32
    %c0_i32_1 = arith.constant 0 : i32
    return %c0_i32, %c0_i32_0 : i32, i32
  }
  func.func @transform_7(%arg0: i32) -> (i32, i32) {
    %c0_i32 = arith.constant 0 : i32
    %c0_i32_0 = arith.constant 0 : i32
    %c0_i32_1 = arith.constant 0 : i32
    return %c0_i32, %c0_i32_0 : i32, i32
  }
  func.func @transform_8(%arg0: i32) -> (i32, i32) {
    %c0_i32 = arith.constant 0 : i32
    %c0_i32_0 = arith.constant 0 : i32
    return %arg0, %c0_i32 : i32, i32
  }
}

</mosaic_0001>

<sc_bundles>
// kernel: kernel.11.cloned.1.call-start
scs
__scs_entry_jumppad:
0x0: {  	(pc) =	sbr.rel $0x88, $3  }
0x1: {  	(tag) =	ssettag $0x0;
	lr =	simm.s32 $0x1  }
0x2: {  	[smem:$0x3F90] =	sst lr;
	_ =	strace $0xD0000000  }
0x3: {  	_ = 	snop  }
0x4: {  	_ = 	snop  }
0x5: {  	_ = 	snop  }
0x6: {  	_ = 	snop  }
0x7: {  	_ = 	snop  }
__scs_overlays_trampoline_lowered:
0x8: {  	[smem:$0x3F9F] =	sst s0  }
0x9: {  	[smem:$0x3FA0] =	sst s1  }
0xa: {  	[smem:$0x3FA1] =	sst s2  }
0xb: {  	[smem:$0x3FA2] =	sst s3  }
0xc: {  	[smem:$0x3FA3] =	sst s4  }
0xd: {  	[smem:$0x3FA4] =	sst s5  }
0xe: {  	[smem:$0x3FA5] =	sst s6  }
0xf: {  	[smem:$0x3FA6] =	sst s7  }
0x10: {  	[smem:$0x3FA7] =	sst s8  }
0x11: {  	[smem:$0x3FA8] =	sst s9;
	s0 =	simm.s32 @!p0 $0x0  }
0x12: {  	s1 =	sld [smem:$0x3F8E];
	s0 =	simm.s32 @p0 $0x1  }
0x13: {  	[smem:$0x3FA9] =	sst s0;
	s0 =	simm.s32 @!p1 $0x0  }
0x14: {  	s2 =	sld [smem:$0x3F8D];
	s0 =	simm.s32 @p1 $0x1  }
0x15: {  	[smem:$0x3FAA] =	sst s0;
	s0 =	simm.s32 @!p2 $0x0  }
0x16: {  	s3 =	sld [smem:$0x3FDB];
	s0 =	simm.s32 @p2 $0x1  }
0x17: {  	s4 =	simm.s32 $0x1BF5;
	[smem:$0x3FAC] =	sst s0  }
0x18: {  	s0 =	sld [smem:$0x3F8F];
	_ =	swait.ge [sflag:s4], $0x0  }
0x19: {  	s7 =	sld [smem:$0x3F90]  }
0x1a: {  	s8 =	sadd.s32 $0xFFFFE003, lr  }
0x1b: {  	s9 =	sadd.s32 $0xFFFFFEF7, lr;
	s5 =	simm.s32 $0xFFFFFFFF;
	p2 =	slt.u32 s8, $0xFFFFF086  }
0x1c: {  	p1 =	slt.u32 s9, $0xF7A;
	s5 =	simm.s32 @!p2 $0x0  }
0x1d: {  	s5 =	simm.s32 @p1 $0x1;
	p0 =	seq.s32 s7, s2  }
0x1e: {  	s7 =	smul.u32 @!p0 $0xF7A, s2;
	p2 =	seq.s32 @!p0 s5, $0x0  }
0x1f: {  	s9 =	smul.u32 $0xF7A, s1;
	s8 =	simm.s32 @!p0 $0x1BF5;
	p2 =	por !p2, p0  }
0x20: {  	[sflag:s8] =	ssyncset.s32 @!p0 $0xFFFFF086;
	s6 =	sadd.s32 @!p0 s3, s7;
	s7 =	simm.s32 @!p0 $0x108  }
0x21: {  	s3 =	sadd.s32 s3, s9;
	s6 =	sadd.s32 @!p0 $0x88, s6;
	s7 =	simm.s32 @p2 $0x1082  }
0x22: {  	[simem:s7], [sflag:s8] =	dma.local @!p0 [hbm:s6], $0xF7A  }
0x23: {  	s9 =	sor.u32 $0xD0000000, s2;
	s6 =	simm.s32 $0x108;
	_ =	swait.ge @!p0 [sflag:s8], $0x0  }
0x24: {  	s3 =	sadd.s32 $0x88, s3;
	s6 =	simm.s32 @!p1 $0x1082;
	[sflag:s4] =	ssyncset.s32 $0xFFFFF086  }
0x25: {  	[simem:s6], [sflag:s4] =	dma.local [hbm:s3], $0xF7A  }
0x26: {  	[smem:$0x3F90] =	sst s1;
	(tag) =	ssettag s2;
	_ =	strace s9  }
0x27: {  	s1 =	sld [smem:$0x3FA0]  }
0x28: {  	s2 =	sld [smem:$0x3FA1]  }
0x29: {  	s4 =	sld [smem:$0x3FA3]  }
0x2a: {  	p0 =	seq.s32 s5, $0x0;
	s5 =	sld [smem:$0x3FA4]  }
0x2b: {  	s6 =	sld [smem:$0x3FA5]  }
0x2c: {  	s7 =	sld [smem:$0x3FA6]  }
0x2d: {  	s3 =	simm.s32 $0x108;
	s8 =	sld [smem:$0x3FA7]  }
0x2e: {  	s3 =	simm.s32 @!p0 $0x1082;
	s9 =	sld [smem:$0x3FA8]  }
0x2f: {  	lr =	sadd.s32 s0, s3;
	s0 =	sld [smem:$0x3F9F]  }
0x30: {  	s3 =	sld [smem:$0x3FA2]  }
0x31: {  	[smem:$0x3FAB] =	sst s10  }
0x32: {  	s10 =	sld [smem:$0x3FA9];
	_ =	sdelay $0x3  }
0x33: {  	p0 =	seq.s32 s10, $0x1;
	s10 =	sld [smem:$0x3FAB];
	_ =	sdelay $0x3  }
0x34: {  	[smem:$0x3FAB] =	sst s10  }
0x35: {  	s10 =	sld [smem:$0x3FAA];
	_ =	sdelay $0x3  }
0x36: {  	p1 =	seq.s32 s10, $0x1;
	s10 =	sld [smem:$0x3FAB];
	_ =	sdelay $0x3  }
0x37: {  	[smem:$0x3FAB] =	sst s10  }
0x38: {  	s10 =	sld [smem:$0x3FAC]  }
0x39: {  	_ = 	snop;
	(pc) =	sbr.ind lr, $3  }
0x3a: {  	_ = 	snop  }
0x3b: {  	_ = 	snop  }
0x3c: {  	p2 =	seq.s32 s10, $0x1;
	s10 =	sld [smem:$0x3FAB]  }
0x3d: {  	_ =	shalt  }
0x3e: {  	_ =	shalt  }
0x3f: {  	_ =	shalt  }
0x40: {  	_ =	shalt  }
0x41: {  	_ =	shalt  }
0x42: {  	_ =	shalt  }
0x43: {  	_ =	shalt  }
0x44: {  	_ =	shalt  }
0x45: {  	_ =	shalt  }
0x46: {  	_ =	shalt  }
0x47: {  	_ =	shalt  }
0x48: {  	_ =	shalt  }
0x49: {  	_ =	shalt  }
0x4a: {  	_ =	shalt  }
0x4b: {  	_ =	shalt  }
0x4c: {  	_ =	shalt  }
0x4d: {  	_ =	shalt  }
0x4e: {  	_ =	shalt  }
0x4f: {  	_ =	shalt  }
0x50: {  	_ =	shalt  }
0x51: {  	_ =	shalt  }
0x52: {  	_ =	shalt  }
0x53: {  	_ =	shalt  }
0x54: {  	_ =	shalt  }
0x55: {  	_ =	shalt  }
0x56: {  	_ =	shalt  }
0x57: {  	_ =	shalt  }
0x58: {  	_ =	shalt  }
0x59: {  	_ =	shalt  }
0x5a: {  	_ =	shalt  }
0x5b: {  	_ =	shalt  }
0x5c: {  	_ =	shalt  }
0x5d: {  	_ =	shalt  }
0x5e: {  	_ =	shalt  }
0x5f: {  	_ =	shalt  }
0x60: {  	_ =	shalt  }
0x61: {  	_ =	shalt  }
0x62: {  	_ =	shalt  }
0x63: {  	_ =	shalt  }
0x64: {  	_ =	shalt  }
0x65: {  	_ =	shalt  }
0x66: {  	_ =	shalt  }
0x67: {  	_ =	shalt  }
0x68: {  	_ =	shalt  }
0x69: {  	_ =	shalt  }
0x6a: {  	_ =	shalt  }
0x6b: {  	_ =	shalt  }
0x6c: {  	_ =	shalt  }
0x6d: {  	_ =	shalt  }
0x6e: {  	_ =	shalt  }
0x6f: {  	_ =	shalt  }
0x70: {  	_ =	shalt  }
0x71: {  	_ =	shalt  }
0x72: {  	_ =	shalt  }
0x73: {  	_ =	shalt  }
0x74: {  	_ =	shalt  }
0x75: {  	_ =	shalt  }
0x76: {  	_ =	shalt  }
0x77: {  	_ =	shalt  }
0x78: {  	_ =	shalt  }
0x79: {  	_ =	shalt  }
0x7a: {  	_ =	shalt  }
0x7b: {  	_ =	shalt  }
0x7c: {  	_ =	shalt  }
0x7d: {  	_ =	shalt  }
0x7e: {  	_ =	shalt  }
0x7f: {  	_ =	shalt  }
0x80: {  	_ =	shalt  }
0x81: {  	_ =	shalt  }
0x82: {  	_ =	shalt  }
0x83: {  	_ =	shalt  }
0x84: {  	_ =	shalt  }
0x85: {  	_ =	shalt  }
0x86: {  	_ =	shalt  }
0x87: {  	_ =	shalt  }
.Lfunc_end0:
.L_simem_size_0:
called_computation.1_lowered:
.L_overlay_start_0:
0x88: {  	s2 =	sld [smem:$0x3FD9]  }
0x89: {  	s3 =	sld [smem:$0x3FFE];
	_ =	sdelay $0x1  }
0x8a: {  	s1 =	srdreg.scid  }
0x8b: {  	s0 =	sand.u32 $0x1, s1  }
0x8c: {  	s17 =	sshll.u32 s0, $0xA;
	s2 =	sadd.s32 s3, s2  }
0x8d: {  	s2 =	sadd.s32 s2, s17  }
0x8e: {  	[smem:$0x3FB7] =	sst s2  }
0x8f: {  	_ = 	snop  }
0x90: {  	s2 =	sld [smem:$0x3FD0];
	(tm) =	ssettm $0x1  }
0x91: {  	s18 =	sld [smem:$0x3FFB];
	_ =	sdelay $0x3  }
0x92: {  	_ =	strace s18  }
0x93: {  	s3 =	sld [smem:$0x3FFC];
	_ =	sdelay $0x3  }
0x94: {  	_ =	strace s3  }
0x95: {  	s3 =	sld [smem:$0x3FFD];
	_ =	sdelay $0x3  }
0x96: {  	_ =	strace s3  }
0x97: {  	_ =	strace $0x8FFFFFFF  }
0x98: {  	s19 =	sld [smem:$0x3FDB];
	_ =	sdelay $0x1  }
0x99: {  	s4 =	simm.s32 $_scs_section_size  }
0x9a: {  	s5 =	simm.s32 $_size__tile_overlayer_lowered;
	s6 =	simm.s32 $_tile_overlayer_lowered  }
0x9b: {  	s22 =	simm.s32 $0x1BFF;
	s21 =	sshll.u32 s6, $0x1;
	s3 =	sadd.s32 s4, s19  }
0x9c: {  	s7 =	simm.s32 $0x0;
	s20 =	sshll.u32 s5, $0x1;
	s5 =	sadd.s32 s21, s3  }
0x9d: {  	[timem:s7], [sflag:s22] =	dma.local [hbm:s5], s20  }
0x9e: {  	_ =	swait.ge [sflag:s22], s20  }
0x9f: {  	s4 =	ssub.s32 $0x0, s20;
	[sflag:s22] =	ssyncset.done $0x0  }
0xa0: {  	[sflag:s22] =	ssyncadd.s32 s4;
	_ =	sdelay $0x1  }
0xa1: {  	s23 =	simm.s32 $0x1B8B  }
0xa2: {  	_ =	swait.ge [sflag:s23], $0x1  }
0xa3: {  	[sflag:s23] =	ssyncset.done $0x0  }
0xa4: {  	s25 =	simm.s32 $0x1B8E;
	s24 =	sld [smem:$0x3FFE];
	[sflag:s23] =	ssyncadd.s32 $0xFFFFFFFF  }
0xa5: {  	s26 =	simm.s32 $execute0_lowered;
	[smem:$0x3FD2] =	sst s25  }
0xa6: {  	s5 =	sshll.u32 s26, $0x1;
	_ =	strace $0x80000049;
	[dreg:$0x1] =	wrdreg $0xFFFFFFFF  }
0xa7: {  	s28 =	simm.s32 $_size_execute0_lowered;
	s3 =	sadd.s32 s3, s5;
	[dreg:$0x0] =	wrdreg $0x0  }
0xa8: {  	s5 =	sshll.u32 s28, $0x1;
	[dreg:$0x2] =	wrdreg s3  }
0xa9: {  	[dreg:$0x3] =	wrdreg s5  }
0xaa: {  	[dreg:$0x4] =	wrdreg $0xC0  }
0xab: {  	_ =	task [dreg:s7], $0x5FFFF  }
0xac: {  	[dreg:$0x1] =	wrdreg $0xFFFFFFFF  }
0xad: {  	[dreg:$0x0] =	wrdreg $0x60  }
0xae: {  	[dreg:$0x2] =	wrdreg s24  }
0xaf: {  	[dreg:$0x3] =	wrdreg s2  }
0xb0: {  	[dreg:$0x4] =	wrdreg $0x29000  }
0xb1: {  	[dreg:$0x5] =	wrdreg $0x9  }
0xb2: {  	_ =	task.clear_ibuf [dreg:s7], $0x6FFFF;
	_ =	strace $0x90000049  }
0xb3: {  	s29 =	simm.s32 $0x9;
	_ =	strace $0x8000004B  }
0xb4: {  	_ =	swait.ge [sflag:s29], $0x1  }
0xb5: {  	[sflag:s29] =	ssyncadd.s32 $0xFFFFFFFF  }
0xb6: {  	_ =	strace $0x9000004B  }
0xb7: {  	_ =	sfence  }
0xb8: {  	s30 =	sld [smem:$0x0];
	_ =	sdelay $0x2  }
0xb9: {  	s31 =	sshll.u32 s1, $0xD;
	s1 =	sshrl.u32 s1, $0x2  }
0xba: {  	s3 =	sand.u32 $0x4000, s31;
	s1 =	sadd.s32 s1, s30  }
0xbb: {  	s0 =	sor.u32 s3, s0;
	s1 =	sshll.u32 s1, $0x11  }
0xbc: {  	s0 =	sor.u32 s1, s0  }
0xbd: {  	s0 =	sadd.s32 $0x8F2B, s0  }
0xbe: {  	[sflag:s0] =	ssyncadd.remote.s32 $0x1  }
0xbf: {  	_ =	sfence.sel $0xFFFF  }
0xc0: {  	[dreg:$0x0] =	wrdreg $0xFFFFFFFF;
	(pc) =	sbr.abs _section_cstart, $3  }
0xc1: {  	[dreg:$0x1] =	wrdreg $0xFFFFFFFF  }
0xc2: {  	_ =	task.clear_ibuf [dreg:s7], $0x2FFFF;
	_ =	strace $0x9FFFFFFF  }
0xc3: {  	(tm) =	ssettm $0x7FFFFFFF  }
tec
execute0_lowered:
.L_overlay_start_1:
0x0: {  	(tag) =	ssettag $0x1  }
0x1: {  	s5 =	rddreg [dreg:$0x0]  }
0x2: {  	s0 =	srdreg.scid;
	s9 =	rddreg [dreg:$0x1]  }
0x3: {  	s11 =	stileid.u32;
	s1 =	rddreg [dreg:$0x2]  }
0x4: {  	s2 =	simm.s32 $0x0;
	s16 =	simm.s32 $0x100;
	s3 =	smul.u32 $0x4E20, s11  }
0x5: {  	s17 =	simm.s32 $0x1;
	s18 =	simm.s32 $0x0;
	s7 =	smul.u32 $0x2700, s11  }
0x6: {  	s6 =	sand.u32 $0x1, s0;
	s0 =	rddreg [dreg:$0x3];
	s13 =	smul.u32 $0x4E000, s11  }
0x7: {  	[smem:$0x7FF] =	sst s2;
	s14 =	sadd.s32 $0x37000, s5;
	s4 =	smul.u32 $0x2710, s6  }
0x8: {  	s30 =	sshll.u32 s11, $0x6;
	p0 =	sne.s32 s11, $0x0;
	s15 =	smul.u32 $0x138800, s6  }
0x9: {  	_ =	strace $0x8000004A;
	s8 =	ssub.s32 $0x2, s6;
	s6 =	smul.u32 $0x27100, s6  }
0xa: {  	s28 =	sshrl.u32 s8, $0x1;
	s29 =	sshrl.u32 s13, $0x2;
	s3 =	sadd.s32 s4, s3  }
0xb: {  	s4 =	sadd.s32 $0xD600, s5;
	s8 =	ssub.s32 s8, s28;
	s13 =	sadd.s32 s29, s1  }
0xc: {  	s15 =	sshrl.u32 s15, $0x3;
	s6 =	sadd.s32 s7, s6;
	s10 =	sshrl.u32 s3, $0x3  }
0xd: {  	s3 =	sadd.s32 $0xFE00, s5;
	s31 =	sadd.s32 s14, s15;
	s15 =	sadd.s32 $0x138000, s1  }
0xe: {  	s6 =	sadd.s32 s14, s6;
	s8 =	smax.u32 s8, $0x1;
	s11 =	sshrl.u32 s13, $0x3  }
0xf: {  	s14 =	simm.s32 $0x80;
	s12 =	sadd.s32 s10, s5;
	s5 =	sor.u32 $0x1C02, s30  }
0x10: {  	s7 =	sadd.s32 $0x27000, s31;
	s9 =	sadd.s32 s10, s9;
	s13 =	sshrl.u32 @!p0 s15, $0x3  }
0x11: {  	s15 =	simm.s32 $0x50;
	s10 =	sadd.s32 $0x3800, s12;
	s12 =	simm.s32 $0x2  }
.LBB2_1:
0x12: {  	[spmem:s11], [sflag:s5] =	dma.local [hbm:s4], $0x2700  }
0x13: {  	_ =	swait.ge [sflag:s12], $0x2700  }
0x14: {  	[sflag:s12] =	ssyncset.done $0x0  }
0x15: {  	s19 =	simm.s32 @!p0 $0x2;
	[sflag:s12] =	ssyncadd.s32 $0xFFFFD900  }
0x16: {  	[spmem:s13], [sflag:s5] =	dma.local @!p0 [hbm:s4], $0x100  }
0x17: {  	_ =	swait.ge @!p0 [sflag:s19], $0x100  }
0x18: {  	[sflag:s19] =	ssyncset.done @!p0 $0x0  }
0x19: {  	[sflag:s19] =	ssyncadd.s32 @!p0 $0xFFFFFF00  }
0x1a: {  	s30 =	sadd.s32 $0x0, s10;
	[bflag:$0x0] =	sbarrier.arrive $0xFFFF  }
0x1b: {  	[tilespmem:s2], [sflag:$0x2] =	stream.linear.gather [hbm4b:s30+s2], $0x50, $0x38;
	[tilespmem:$0x16180] =	vst v63  }
0x1c: {  	_ =	swait.ge [sflag:s12], $0x50  }
0x1d: {  	[sflag:s12] =	ssyncset.done $0x0  }
0x1e: {  	s31 =	sadd.s32 $0x0, s9;
	[sflag:s12] =	ssyncadd.s32 $0xFFFFFFB0  }
0x1f: {  	[tilespmem:s14], [sflag:$0x2] =	stream.linear.gather [hbm4b:s31+s2], $0x50, $0x38;
	[tilespmem:$0x16180] =	vst v63  }
0x20: {  	_ =	swait.ge [sflag:s12], $0x50  }
0x21: {  	[sflag:s12] =	ssyncset.done $0x0  }
0x22: {  	[sflag:s12] =	ssyncadd.s32 $0xFFFFFFB0  }
0x23: {  	[tilespmem:s16], [sflag:$0x1] =	stream.indirect.gather [hbm4b:s3+s15], $0x80, s2, s15, $0xb8;
	[tilespmem:$0x16180] =	vst v63  }
0x24: {  	_ =	swait.ge [sflag:s17], $0x2800  }
0x25: {  	[sflag:s17] =	ssyncset.done $0x0  }
0x26: {  	[sflag:s17] =	ssyncadd.s32 $0xFFFFD800  }
0x27: {  	[spmem:s1] =	stream.indirect.scatter.add.f32 [tilespmem:s16], [sflag:$0x2], $0x80, s14, s15, $0xb8;
	[tilespmem:$0x16180] =	vst v63  }
0x28: {  	_ =	swait.ge [sflag:s12], $0x2800  }
0x29: {  	s20 =	simm.s32 $0x14;
	s19 =	simm.s32 $0xA;
	[sflag:s12] =	ssyncset.done $0x0  }
.LBB2_2:
0x2a: {  	s21 =	sadd.s32 s19, s10  }
0x2b: {  	[sflag:s12] =	ssyncadd.s32 $0xFFFFD800;
	s22 =	smov.u32 s20;
	s23 =	sadd.s32 $0xA, s20  }
0x2c: {  	[tilespmem:s2], [sflag:$0x2] =	stream.linear.gather [hbm4b:s21+s2], $0x50, $0x38;
	[tilespmem:$0x16180] =	vst v63  }
0x2d: {  	p1 =	sne.s32 s20, $0x4D8;
	_ =	swait.ge [sflag:s12], $0x50  }
0x2e: {  	[sflag:s12] =	ssyncset.done $0x0  }
0x2f: {  	s20 =	sadd.s32 s19, s9;
	s19 =	smov.u32 s22;
	[sflag:s12] =	ssyncadd.s32 $0xFFFFFFB0  }
0x30: {  	[tilespmem:s14], [sflag:$0x2] =	stream.linear.gather [hbm4b:s20+s2], $0x50, $0x38;
	[tilespmem:$0x16180] =	vst v63  }
0x31: {  	_ =	swait.ge [sflag:s12], $0x50  }
0x32: {  	[sflag:s12] =	ssyncset.done $0x0  }
0x33: {  	[sflag:s12] =	ssyncadd.s32 $0xFFFFFFB0  }
0x34: {  	[tilespmem:s16], [sflag:$0x1] =	stream.indirect.gather [hbm4b:s3+s15], $0x80, s2, s15, $0xb8;
	[tilespmem:$0x16180] =	vst v63  }
0x35: {  	_ =	swait.ge [sflag:s17], $0x2800  }
.Ltmp0:
0x36: {  	[sflag:s17] =	ssyncset.done $0x0;
	(pc) =	sbr.rel @p1 .LBB2_2-.Ltmp0, $4  }
0x37: {  	[sflag:s17] =	ssyncadd.s32 $0xFFFFD800  }
0x38: {  	[spmem:s1] =	stream.indirect.scatter.add.f32 [tilespmem:s16], [sflag:$0x2], $0x80, s14, s15, $0xb8;
	[tilespmem:$0x16180] =	vst v63  }
0x39: {  	_ =	swait.ge [sflag:s12], $0x2800  }
0x3a: {  	s20 =	smov.u32 s23;
	[sflag:s12] =	ssyncset.done $0x0  }
0x3b: {  	s20 =	sadd.s32 s19, s10;
	[sflag:s12] =	ssyncadd.s32 $0xFFFFD800  }
0x3c: {  	[tilespmem:s2], [sflag:$0x2] =	stream.linear.gather [hbm4b:s20+s2], $0x50, $0x38;
	[tilespmem:$0x16180] =	vst v63  }
0x3d: {  	_ =	swait.ge [sflag:s12], $0x50  }
0x3e: {  	[sflag:s12] =	ssyncset.done $0x0  }
0x3f: {  	s31 =	sadd.s32 s19, s9;
	[sflag:s12] =	ssyncadd.s32 $0xFFFFFFB0  }
0x40: {  	[tilespmem:s14], [sflag:$0x2] =	stream.linear.gather [hbm4b:s31+s2], $0x50, $0x38;
	[tilespmem:$0x16180] =	vst v63  }
0x41: {  	_ =	swait.ge [sflag:s12], $0x50  }
0x42: {  	[sflag:s12] =	ssyncset.done $0x0  }
0x43: {  	[sflag:s12] =	ssyncadd.s32 $0xFFFFFFB0  }
0x44: {  	[tilespmem:s16], [sflag:$0x1] =	stream.indirect.gather [hbm4b:s3+s15], $0x80, s2, s15, $0xb8;
	[tilespmem:$0x16180] =	vst v63  }
0x45: {  	_ =	swait.ge [sflag:s17], $0x2800  }
0x46: {  	[sflag:s17] =	ssyncset.done $0x0  }
0x47: {  	[sflag:s17] =	ssyncadd.s32 $0xFFFFD800  }
0x48: {  	[spmem:s1] =	stream.indirect.scatter.add.f32 [tilespmem:s16], [sflag:$0x2], $0x80, s14, s15, $0xb8;
	[tilespmem:$0x16180] =	vst v63  }
0x49: {  	_ =	swait.ge [sflag:s12], $0x2800  }
0x4a: {  	[sflag:s12] =	ssyncset.done $0x0  }
0x4b: {  	[sflag:s12] =	ssyncadd.s32 $0xFFFFD800  }
0x4c: {  	[bflag:$0x0] =	sbarrier.arrive $0xFFFF  }
0x4d: {  	[hbm:s6], [sflag:s5] =	dma.local [spmem:s11], $0x2700  }
0x4e: {  	s18 =	sadd.s32 $0x1, s18;
	_ =	swait.ge [sflag:s12], $0x2700  }
0x4f: {  	p1 =	sne.s32 s18, s8;
	[sflag:s12] =	ssyncset.done $0x0  }
.Ltmp1:
0x50: {  	s19 =	simm.s32 @!p0 $0x2;
	[sflag:s12] =	ssyncadd.s32 $0xFFFFD900;
	(pc) =	sbr.rel @p1 .LBB2_1-.Ltmp1, $4  }
0x51: {  	[hbm:s7], [sflag:s5] =	dma.local @!p0 [spmem:s13], $0x100  }
0x52: {  	_ =	swait.ge @!p0 [sflag:s19], $0x100  }
0x53: {  	[sflag:s19] =	ssyncset.done @!p0 $0x0  }
0x54: {  	[sflag:s19] =	ssyncadd.s32 @!p0 $0xFFFFFF00  }
0x55: {  	_ =	sfence.sel $0x180000  }
0x56: {  	[bflag:$0x0] =	sbarrier.arrive $0xFFFF  }
0x57: {  	_ =	strace $0x9000004A  }
0x58: {  	s0 =	sadd.s32 @!p0 $0x100000, s0;
	[bflag:$0x2] =	sbarrier.arrive $0xFFFF  }
0x59: {  	[sflag:s0] =	ssyncadd.tile.s32 @!p0 $0x1;
	_ =	shalt  }
.Lfunc_end2:
_tile_overlayer_lowered:
.L_overlay_start_2:
0x5a: {  	(tag) =	ssettag $0x2  }
0x5b: {  	s0 =	rddreg [dreg:$0x0];
	s2 =	stileid.u32  }
0x5c: {  	s1 =	rddreg [dreg:$0x1];
	p0 =	sne.s32 s2, $0x0  }
0x5d: {  	s3 =	rddreg [dreg:$0x2];
	[bflag:$0x3] =	sbarrier.arrive $0xFFFF;
	s2 =	simm.s32 @!p0 $0x1C02  }
0x5e: {  	[timem:s3], [sflag:s2] =	dma.local @!p0 [hbm:s0], s1  }
0x5f: {  	s0 =	simm.s32 @!p0 $0x2  }
0x60: {  	_ =	swait.ge @!p0 [sflag:s0], s1  }
0x61: {  	s1 =	ssub.s32 @!p0 $0x0, s1;
	[sflag:s0] =	ssyncset.done @!p0 $0x0  }
0x62: {  	[sflag:s0] =	ssyncadd.s32 @!p0 s1  }
0x63: {  	[bflag:$0x3] =	sbarrier.arrive $0xFFFF  }
0x64: {  	_ =	shalt  }

// kernel: kernel.14.cloned.1.call-start
scs
__scs_entry_jumppad:
0x0: {  	(pc) =	sbr.rel $0x88, $3  }
0x1: {  	(tag) =	ssettag $0x0;
	lr =	simm.s32 $0x1  }
0x2: {  	[smem:$0x3F90] =	sst lr;
	_ =	strace $0xD0000000  }
0x3: {  	_ = 	snop  }
0x4: {  	_ = 	snop  }
0x5: {  	_ = 	snop  }
0x6: {  	_ = 	snop  }
0x7: {  	_ = 	snop  }
__scs_overlays_trampoline_lowered:
0x8: {  	[smem:$0x3F9F] =	sst s0  }
0x9: {  	[smem:$0x3FA0] =	sst s1  }
0xa: {  	[smem:$0x3FA1] =	sst s2  }
0xb: {  	[smem:$0x3FA2] =	sst s3  }
0xc: {  	[smem:$0x3FA3] =	sst s4  }
0xd: {  	[smem:$0x3FA4] =	sst s5  }
0xe: {  	[smem:$0x3FA5] =	sst s6  }
0xf: {  	[smem:$0x3FA6] =	sst s7  }
0x10: {  	[smem:$0x3FA7] =	sst s8  }
0x11: {  	[smem:$0x3FA8] =	sst s9;
	s0 =	simm.s32 @!p0 $0x0  }
0x12: {  	s1 =	sld [smem:$0x3F8E];
	s0 =	simm.s32 @p0 $0x1  }
0x13: {  	[smem:$0x3FA9] =	sst s0;
	s0 =	simm.s32 @!p1 $0x0  }
0x14: {  	s2 =	sld [smem:$0x3F8D];
	s0 =	simm.s32 @p1 $0x1  }
0x15: {  	[smem:$0x3FAA] =	sst s0;
	s0 =	simm.s32 @!p2 $0x0  }
0x16: {  	s3 =	sld [smem:$0x3FDB];
	s0 =	simm.s32 @p2 $0x1  }
0x17: {  	s4 =	simm.s32 $0x1BF5;
	[smem:$0x3FAC] =	sst s0  }
0x18: {  	s0 =	sld [smem:$0x3F8F];
	_ =	swait.ge [sflag:s4], $0x0  }
0x19: {  	s7 =	sld [smem:$0x3F90]  }
0x1a: {  	s8 =	sadd.s32 $0xFFFFE003, lr  }
0x1b: {  	s9 =	sadd.s32 $0xFFFFFEF7, lr;
	s5 =	simm.s32 $0xFFFFFFFF;
	p2 =	slt.u32 s8, $0xFFFFF086  }
0x1c: {  	p1 =	slt.u32 s9, $0xF7A;
	s5 =	simm.s32 @!p2 $0x0  }
0x1d: {  	s5 =	simm.s32 @p1 $0x1;
	p0 =	seq.s32 s7, s2  }
0x1e: {  	s7 =	smul.u32 @!p0 $0xF7A, s2;
	p2 =	seq.s32 @!p0 s5, $0x0  }
0x1f: {  	s9 =	smul.u32 $0xF7A, s1;
	s8 =	simm.s32 @!p0 $0x1BF5;
	p2 =	por !p2, p0  }
0x20: {  	[sflag:s8] =	ssyncset.s32 @!p0 $0xFFFFF086;
	s6 =	sadd.s32 @!p0 s3, s7;
	s7 =	simm.s32 @!p0 $0x108  }
0x21: {  	s3 =	sadd.s32 s3, s9;
	s6 =	sadd.s32 @!p0 $0x88, s6;
	s7 =	simm.s32 @p2 $0x1082  }
0x22: {  	[simem:s7], [sflag:s8] =	dma.local @!p0 [hbm:s6], $0xF7A  }
0x23: {  	s9 =	sor.u32 $0xD0000000, s2;
	s6 =	simm.s32 $0x108;
	_ =	swait.ge @!p0 [sflag:s8], $0x0  }
0x24: {  	s3 =	sadd.s32 $0x88, s3;
	s6 =	simm.s32 @!p1 $0x1082;
	[sflag:s4] =	ssyncset.s32 $0xFFFFF086  }
0x25: {  	[simem:s6], [sflag:s4] =	dma.local [hbm:s3], $0xF7A  }
0x26: {  	[smem:$0x3F90] =	sst s1;
	(tag) =	ssettag s2;
	_ =	strace s9  }
0x27: {  	s1 =	sld [smem:$0x3FA0]  }
0x28: {  	s2 =	sld [smem:$0x3FA1]  }
0x29: {  	s4 =	sld [smem:$0x3FA3]  }
0x2a: {  	p0 =	seq.s32 s5, $0x0;
	s5 =	sld [smem:$0x3FA4]  }
0x2b: {  	s6 =	sld [smem:$0x3FA5]  }
0x2c: {  	s7 =	sld [smem:$0x3FA6]  }
0x2d: {  	s3 =	simm.s32 $0x108;
	s8 =	sld [smem:$0x3FA7]  }
0x2e: {  	s3 =	simm.s32 @!p0 $0x1082;
	s9 =	sld [smem:$0x3FA8]  }
0x2f: {  	lr =	sadd.s32 s0, s3;
	s0 =	sld [smem:$0x3F9F]  }
0x30: {  	s3 =	sld [smem:$0x3FA2]  }
0x31: {  	[smem:$0x3FAB] =	sst s10  }
0x32: {  	s10 =	sld [smem:$0x3FA9];
	_ =	sdelay $0x3  }
0x33: {  	p0 =	seq.s32 s10, $0x1;
	s10 =	sld [smem:$0x3FAB];
	_ =	sdelay $0x3  }
0x34: {  	[smem:$0x3FAB] =	sst s10  }
0x35: {  	s10 =	sld [smem:$0x3FAA];
	_ =	sdelay $0x3  }
0x36: {  	p1 =	seq.s32 s10, $0x1;
	s10 =	sld [smem:$0x3FAB];
	_ =	sdelay $0x3  }
0x37: {  	[smem:$0x3FAB] =	sst s10  }
0x38: {  	s10 =	sld [smem:$0x3FAC]  }
0x39: {  	_ = 	snop;
	(pc) =	sbr.ind lr, $3  }
0x3a: {  	_ = 	snop  }
0x3b: {  	_ = 	snop  }
0x3c: {  	p2 =	seq.s32 s10, $0x1;
	s10 =	sld [smem:$0x3FAB]  }
0x3d: {  	_ =	shalt  }
0x3e: {  	_ =	shalt  }
0x3f: {  	_ =	shalt  }
0x40: {  	_ =	shalt  }
0x41: {  	_ =	shalt  }
0x42: {  	_ =	shalt  }
0x43: {  	_ =	shalt  }
0x44: {  	_ =	shalt  }
0x45: {  	_ =	shalt  }
0x46: {  	_ =	shalt  }
0x47: {  	_ =	shalt  }
0x48: {  	_ =	shalt  }
0x49: {  	_ =	shalt  }
0x4a: {  	_ =	shalt  }
0x4b: {  	_ =	shalt  }
0x4c: {  	_ =	shalt  }
0x4d: {  	_ =	shalt  }
0x4e: {  	_ =	shalt  }
0x4f: {  	_ =	shalt  }
0x50: {  	_ =	shalt  }
0x51: {  	_ =	shalt  }
0x52: {  	_ =	shalt  }
0x53: {  	_ =	shalt  }
0x54: {  	_ =	shalt  }
0x55: {  	_ =	shalt  }
0x56: {  	_ =	shalt  }
0x57: {  	_ =	shalt  }
0x58: {  	_ =	shalt  }
0x59: {  	_ =	shalt  }
0x5a: {  	_ =	shalt  }
0x5b: {  	_ =	shalt  }
0x5c: {  	_ =	shalt  }
0x5d: {  	_ =	shalt  }
0x5e: {  	_ =	shalt  }
0x5f: {  	_ =	shalt  }
0x60: {  	_ =	shalt  }
0x61: {  	_ =	shalt  }
0x62: {  	_ =	shalt  }
0x63: {  	_ =	shalt  }
0x64: {  	_ =	shalt  }
0x65: {  	_ =	shalt  }
0x66: {  	_ =	shalt  }
0x67: {  	_ =	shalt  }
0x68: {  	_ =	shalt  }
0x69: {  	_ =	shalt  }
0x6a: {  	_ =	shalt  }
0x6b: {  	_ =	shalt  }
0x6c: {  	_ =	shalt  }
0x6d: {  	_ =	shalt  }
0x6e: {  	_ =	shalt  }
0x6f: {  	_ =	shalt  }
0x70: {  	_ =	shalt  }
0x71: {  	_ =	shalt  }
0x72: {  	_ =	shalt  }
0x73: {  	_ =	shalt  }
0x74: {  	_ =	shalt  }
0x75: {  	_ =	shalt  }
0x76: {  	_ =	shalt  }
0x77: {  	_ =	shalt  }
0x78: {  	_ =	shalt  }
0x79: {  	_ =	shalt  }
0x7a: {  	_ =	shalt  }
0x7b: {  	_ =	shalt  }
0x7c: {  	_ =	shalt  }
0x7d: {  	_ =	shalt  }
0x7e: {  	_ =	shalt  }
0x7f: {  	_ =	shalt  }
0x80: {  	_ =	shalt  }
0x81: {  	_ =	shalt  }
0x82: {  	_ =	shalt  }
0x83: {  	_ =	shalt  }
0x84: {  	_ =	shalt  }
0x85: {  	_ =	shalt  }
0x86: {  	_ =	shalt  }
0x87: {  	_ =	shalt  }
.Lfunc_end0:
.L_simem_size_0:
called_computation.2_lowered:
.L_overlay_start_0:
0x88: {  	s2 =	sld [smem:$0x3FD9]  }
0x89: {  	s3 =	sld [smem:$0x3FFE];
	_ =	sdelay $0x1  }
0x8a: {  	s1 =	srdreg.scid  }
0x8b: {  	s0 =	sand.u32 $0x1, s1  }
0x8c: {  	s17 =	sshll.u32 s0, $0xA;
	s2 =	sadd.s32 s3, s2  }
0x8d: {  	s2 =	sadd.s32 s2, s17  }
0x8e: {  	[smem:$0x3FB7] =	sst s2  }
0x8f: {  	_ = 	snop  }
0x90: {  	s2 =	sld [smem:$0x3FD0];
	(tm) =	ssettm $0x1  }
0x91: {  	s18 =	sld [smem:$0x3FFB];
	_ =	sdelay $0x3  }
0x92: {  	_ =	strace s18  }
0x93: {  	s3 =	sld [smem:$0x3FFC];
	_ =	sdelay $0x3  }
0x94: {  	_ =	strace s3  }
0x95: {  	s3 =	sld [smem:$0x3FFD];
	_ =	sdelay $0x3  }
0x96: {  	_ =	strace s3  }
0x97: {  	_ =	strace $0x8FFFFFFF  }
0x98: {  	s19 =	sld [smem:$0x3FDB];
	_ =	sdelay $0x1  }
0x99: {  	s4 =	simm.s32 $_scs_section_size  }
0x9a: {  	s5 =	simm.s32 $_size__tile_overlayer_lowered;
	s6 =	simm.s32 $_tile_overlayer_lowered  }
0x9b: {  	s22 =	simm.s32 $0x1BFF;
	s21 =	sshll.u32 s6, $0x1;
	s3 =	sadd.s32 s4, s19  }
0x9c: {  	s7 =	simm.s32 $0x0;
	s20 =	sshll.u32 s5, $0x1;
	s5 =	sadd.s32 s21, s3  }
0x9d: {  	[timem:s7], [sflag:s22] =	dma.local [hbm:s5], s20  }
0x9e: {  	_ =	swait.ge [sflag:s22], s20  }
0x9f: {  	s4 =	ssub.s32 $0x0, s20;
	[sflag:s22] =	ssyncset.done $0x0  }
0xa0: {  	[sflag:s22] =	ssyncadd.s32 s4;
	_ =	sdelay $0x1  }
0xa1: {  	s23 =	simm.s32 $0x1B8B  }
0xa2: {  	_ =	swait.ge [sflag:s23], $0x1  }
0xa3: {  	[sflag:s23] =	ssyncset.done $0x0  }
0xa4: {  	s25 =	simm.s32 $0x1B8E;
	s24 =	sld [smem:$0x3FFE];
	[sflag:s23] =	ssyncadd.s32 $0xFFFFFFFF  }
0xa5: {  	s26 =	simm.s32 $execute0_lowered;
	[smem:$0x3FD2] =	sst s25  }
0xa6: {  	s5 =	sshll.u32 s26, $0x1;
	_ =	strace $0x8000004C;
	[dreg:$0x1] =	wrdreg $0xFFFFFFFF  }
0xa7: {  	s28 =	simm.s32 $_size_execute0_lowered;
	s3 =	sadd.s32 s3, s5;
	[dreg:$0x0] =	wrdreg $0x0  }
0xa8: {  	s5 =	sshll.u32 s28, $0x1;
	[dreg:$0x2] =	wrdreg s3  }
0xa9: {  	[dreg:$0x3] =	wrdreg s5  }
0xaa: {  	[dreg:$0x4] =	wrdreg $0xC0  }
0xab: {  	_ =	task [dreg:s7], $0x5FFFF  }
0xac: {  	[dreg:$0x1] =	wrdreg $0xFFFFFFFF  }
0xad: {  	[dreg:$0x0] =	wrdreg $0x60  }
0xae: {  	[dreg:$0x2] =	wrdreg s24  }
0xaf: {  	[dreg:$0x3] =	wrdreg s2  }
0xb0: {  	[dreg:$0x4] =	wrdreg $0x29000  }
0xb1: {  	[dreg:$0x5] =	wrdreg $0x9  }
0xb2: {  	_ =	task.clear_ibuf [dreg:s7], $0x6FFFF;
	_ =	strace $0x9000004C  }
0xb3: {  	s29 =	simm.s32 $0x9;
	_ =	strace $0x8000004E  }
0xb4: {  	_ =	swait.ge [sflag:s29], $0x1  }
0xb5: {  	[sflag:s29] =	ssyncadd.s32 $0xFFFFFFFF  }
0xb6: {  	_ =	strace $0x9000004E  }
0xb7: {  	_ =	sfence  }
0xb8: {  	s30 =	sld [smem:$0x0];
	_ =	sdelay $0x2  }
0xb9: {  	s31 =	sshll.u32 s1, $0xD;
	s1 =	sshrl.u32 s1, $0x2  }
0xba: {  	s3 =	sand.u32 $0x4000, s31;
	s1 =	sadd.s32 s1, s30  }
0xbb: {  	s0 =	sor.u32 s3, s0;
	s1 =	sshll.u32 s1, $0x11  }
0xbc: {  	s0 =	sor.u32 s1, s0  }
0xbd: {  	s0 =	sadd.s32 $0x8F2B, s0  }
0xbe: {  	[sflag:s0] =	ssyncadd.remote.s32 $0x1  }
0xbf: {  	_ =	sfence.sel $0xFFFF  }
0xc0: {  	[dreg:$0x0] =	wrdreg $0xFFFFFFFF;
	(pc) =	sbr.abs _section_cstart, $3  }
0xc1: {  	[dreg:$0x1] =	wrdreg $0xFFFFFFFF  }
0xc2: {  	_ =	task.clear_ibuf [dreg:s7], $0x2FFFF;
	_ =	strace $0x9FFFFFFF  }
0xc3: {  	(tm) =	ssettm $0x7FFFFFFF  }
tec
execute0_lowered:
.L_overlay_start_1:
0x0: {  	(tag) =	ssettag $0x1  }
0x1: {  	s5 =	rddreg [dreg:$0x0]  }
0x2: {  	s0 =	srdreg.scid;
	s9 =	rddreg [dreg:$0x1]  }
0x3: {  	s11 =	stileid.u32;
	s1 =	rddreg [dreg:$0x2]  }
0x4: {  	s2 =	simm.s32 $0x0;
	s16 =	simm.s32 $0x100;
	s3 =	smul.u32 $0x4E20, s11  }
0x5: {  	s17 =	simm.s32 $0x1;
	s18 =	simm.s32 $0x0;
	s7 =	smul.u32 $0x2700, s11  }
0x6: {  	s6 =	sand.u32 $0x1, s0;
	s0 =	rddreg [dreg:$0x3];
	s13 =	smul.u32 $0x4E000, s11  }
0x7: {  	[smem:$0x7FF] =	sst s2;
	s14 =	sadd.s32 $0x37000, s5;
	s4 =	smul.u32 $0x2710, s6  }
0x8: {  	s30 =	sshll.u32 s11, $0x6;
	p0 =	sne.s32 s11, $0x0;
	s15 =	smul.u32 $0x138800, s6  }
0x9: {  	_ =	strace $0x8000004D;
	s8 =	ssub.s32 $0x2, s6;
	s6 =	smul.u32 $0x27100, s6  }
0xa: {  	s28 =	sshrl.u32 s8, $0x1;
	s29 =	sshrl.u32 s13, $0x2;
	s3 =	sadd.s32 s4, s3  }
0xb: {  	s4 =	sadd.s32 $0xD600, s5;
	s8 =	ssub.s32 s8, s28;
	s13 =	sadd.s32 s29, s1  }
0xc: {  	s15 =	sshrl.u32 s15, $0x3;
	s6 =	sadd.s32 s7, s6;
	s10 =	sshrl.u32 s3, $0x3  }
0xd: {  	s3 =	sadd.s32 $0xFE00, s5;
	s31 =	sadd.s32 s14, s15;
	s15 =	sadd.s32 $0x138000, s1  }
0xe: {  	s6 =	sadd.s32 s14, s6;
	s8 =	smax.u32 s8, $0x1;
	s11 =	sshrl.u32 s13, $0x3  }
0xf: {  	s14 =	simm.s32 $0x80;
	s12 =	sadd.s32 s10, s5;
	s5 =	sor.u32 $0x1C02, s30  }
0x10: {  	s7 =	sadd.s32 $0x27000, s31;
	s9 =	sadd.s32 s10, s9;
	s13 =	sshrl.u32 @!p0 s15, $0x3  }
0x11: {  	s15 =	simm.s32 $0x50;
	s10 =	sadd.s32 $0x3800, s12;
	s12 =	simm.s32 $0x2  }
.LBB2_1:
0x12: {  	[spmem:s11], [sflag:s5] =	dma.local [hbm:s4], $0x2700  }
0x13: {  	_ =	swait.ge [sflag:s12], $0x2700  }
0x14: {  	[sflag:s12] =	ssyncset.done $0x0  }
0x15: {  	s19 =	simm.s32 @!p0 $0x2;
	[sflag:s12] =	ssyncadd.s32 $0xFFFFD900  }
0x16: {  	[spmem:s13], [sflag:s5] =	dma.local @!p0 [hbm:s4], $0x100  }
0x17: {  	_ =	swait.ge @!p0 [sflag:s19], $0x100  }
0x18: {  	[sflag:s19] =	ssyncset.done @!p0 $0x0  }
0x19: {  	[sflag:s19] =	ssyncadd.s32 @!p0 $0xFFFFFF00  }
0x1a: {  	s30 =	sadd.s32 $0x0, s10;
	[bflag:$0x0] =	sbarrier.arrive $0xFFFF  }
0x1b: {  	[tilespmem:s2], [sflag:$0x2] =	stream.linear.gather [hbm4b:s30+s2], $0x50, $0x38;
	[tilespmem:$0x16180] =	vst v63  }
0x1c: {  	_ =	swait.ge [sflag:s12], $0x50  }
0x1d: {  	[sflag:s12] =	ssyncset.done $0x0  }
0x1e: {  	s31 =	sadd.s32 $0x0, s9;
	[sflag:s12] =	ssyncadd.s32 $0xFFFFFFB0  }
0x1f: {  	[tilespmem:s14], [sflag:$0x2] =	stream.linear.gather [hbm4b:s31+s2], $0x50, $0x38;
	[tilespmem:$0x16180] =	vst v63  }
0x20: {  	_ =	swait.ge [sflag:s12], $0x50  }
0x21: {  	[sflag:s12] =	ssyncset.done $0x0  }
0x22: {  	[sflag:s12] =	ssyncadd.s32 $0xFFFFFFB0  }
0x23: {  	[tilespmem:s16], [sflag:$0x1] =	stream.indirect.gather [hbm4b:s3+s15], $0x80, s2, s15, $0xb8;
	[tilespmem:$0x16180] =	vst v63  }
0x24: {  	_ =	swait.ge [sflag:s17], $0x2800  }
0x25: {  	[sflag:s17] =	ssyncset.done $0x0  }
0x26: {  	[sflag:s17] =	ssyncadd.s32 $0xFFFFD800  }
0x27: {  	[spmem:s1] =	stream.indirect.scatter.add.f32 [tilespmem:s16], [sflag:$0x2], $0x80, s14, s15, $0xb8;
	[tilespmem:$0x16180] =	vst v63  }
0x28: {  	_ =	swait.ge [sflag:s12], $0x2800  }
0x29: {  	s20 =	simm.s32 $0x14;
	s19 =	simm.s32 $0xA;
	[sflag:s12] =	ssyncset.done $0x0  }
.LBB2_2:
0x2a: {  	s21 =	sadd.s32 s19, s10  }
0x2b: {  	[sflag:s12] =	ssyncadd.s32 $0xFFFFD800;
	s22 =	smov.u32 s20;
	s23 =	sadd.s32 $0xA, s20  }
0x2c: {  	[tilespmem:s2], [sflag:$0x2] =	stream.linear.gather [hbm4b:s21+s2], $0x50, $0x38;
	[tilespmem:$0x16180] =	vst v63  }
0x2d: {  	p1 =	sne.s32 s20, $0x4D8;
	_ =	swait.ge [sflag:s12], $0x50  }
0x2e: {  	[sflag:s12] =	ssyncset.done $0x0  }
0x2f: {  	s20 =	sadd.s32 s19, s9;
	s19 =	smov.u32 s22;
	[sflag:s12] =	ssyncadd.s32 $0xFFFFFFB0  }
0x30: {  	[tilespmem:s14], [sflag:$0x2] =	stream.linear.gather [hbm4b:s20+s2], $0x50, $0x38;
	[tilespmem:$0x16180] =	vst v63  }
0x31: {  	_ =	swait.ge [sflag:s12], $0x50  }
0x32: {  	[sflag:s12] =	ssyncset.done $0x0  }
0x33: {  	[sflag:s12] =	ssyncadd.s32 $0xFFFFFFB0  }
0x34: {  	[tilespmem:s16], [sflag:$0x1] =	stream.indirect.gather [hbm4b:s3+s15], $0x80, s2, s15, $0xb8;
	[tilespmem:$0x16180] =	vst v63  }
0x35: {  	_ =	swait.ge [sflag:s17], $0x2800  }
.Ltmp0:
0x36: {  	[sflag:s17] =	ssyncset.done $0x0;
	(pc) =	sbr.rel @p1 .LBB2_2-.Ltmp0, $4  }
0x37: {  	[sflag:s17] =	ssyncadd.s32 $0xFFFFD800  }
0x38: {  	[spmem:s1] =	stream.indirect.scatter.add.f32 [tilespmem:s16], [sflag:$0x2], $0x80, s14, s15, $0xb8;
	[tilespmem:$0x16180] =	vst v63  }
0x39: {  	_ =	swait.ge [sflag:s12], $0x2800  }
0x3a: {  	s20 =	smov.u32 s23;
	[sflag:s12] =	ssyncset.done $0x0  }
0x3b: {  	s20 =	sadd.s32 s19, s10;
	[sflag:s12] =	ssyncadd.s32 $0xFFFFD800  }
0x3c: {  	[tilespmem:s2], [sflag:$0x2] =	stream.linear.gather [hbm4b:s20+s2], $0x50, $0x38;
	[tilespmem:$0x16180] =	vst v63  }
0x3d: {  	_ =	swait.ge [sflag:s12], $0x50  }
0x3e: {  	[sflag:s12] =	ssyncset.done $0x0  }
0x3f: {  	s31 =	sadd.s32 s19, s9;
	[sflag:s12] =	ssyncadd.s32 $0xFFFFFFB0  }
0x40: {  	[tilespmem:s14], [sflag:$0x2] =	stream.linear.gather [hbm4b:s31+s2], $0x50, $0x38;
	[tilespmem:$0x16180] =	vst v63  }
0x41: {  	_ =	swait.ge [sflag:s12], $0x50  }
0x42: {  	[sflag:s12] =	ssyncset.done $0x0  }
0x43: {  	[sflag:s12] =	ssyncadd.s32 $0xFFFFFFB0  }
0x44: {  	[tilespmem:s16], [sflag:$0x1] =	stream.indirect.gather [hbm4b:s3+s15], $0x80, s2, s15, $0xb8;
	[tilespmem:$0x16180] =	vst v63  }
0x45: {  	_ =	swait.ge [sflag:s17], $0x2800  }
0x46: {  	[sflag:s17] =	ssyncset.done $0x0  }
0x47: {  	[sflag:s17] =	ssyncadd.s32 $0xFFFFD800  }
0x48: {  	[spmem:s1] =	stream.indirect.scatter.add.f32 [tilespmem:s16], [sflag:$0x2], $0x80, s14, s15, $0xb8;
	[tilespmem:$0x16180] =	vst v63  }
0x49: {  	_ =	swait.ge [sflag:s12], $0x2800  }
0x4a: {  	[sflag:s12] =	ssyncset.done $0x0  }
0x4b: {  	[sflag:s12] =	ssyncadd.s32 $0xFFFFD800  }
0x4c: {  	[bflag:$0x0] =	sbarrier.arrive $0xFFFF  }
0x4d: {  	[hbm:s6], [sflag:s5] =	dma.local [spmem:s11], $0x2700  }
0x4e: {  	s18 =	sadd.s32 $0x1, s18;
	_ =	swait.ge [sflag:s12], $0x2700  }
0x4f: {  	p1 =	sne.s32 s18, s8;
	[sflag:s12] =	ssyncset.done $0x0  }
.Ltmp1:
0x50: {  	s19 =	simm.s32 @!p0 $0x2;
	[sflag:s12] =	ssyncadd.s32 $0xFFFFD900;
	(pc) =	sbr.rel @p1 .LBB2_1-.Ltmp1, $4  }
0x51: {  	[hbm:s7], [sflag:s5] =	dma.local @!p0 [spmem:s13], $0x100  }
0x52: {  	_ =	swait.ge @!p0 [sflag:s19], $0x100  }
0x53: {  	[sflag:s19] =	ssyncset.done @!p0 $0x0  }
0x54: {  	[sflag:s19] =	ssyncadd.s32 @!p0 $0xFFFFFF00  }
0x55: {  	_ =	sfence.sel $0x180000  }
0x56: {  	[bflag:$0x0] =	sbarrier.arrive $0xFFFF  }
0x57: {  	_ =	strace $0x9000004D  }
0x58: {  	s0 =	sadd.s32 @!p0 $0x100000, s0;
	[bflag:$0x2] =	sbarrier.arrive $0xFFFF  }
0x59: {  	[sflag:s0] =	ssyncadd.tile.s32 @!p0 $0x1;
	_ =	shalt  }
.Lfunc_end2:
_tile_overlayer_lowered:
.L_overlay_start_2:
0x5a: {  	(tag) =	ssettag $0x2  }
0x5b: {  	s0 =	rddreg [dreg:$0x0];
	s2 =	stileid.u32  }
0x5c: {  	s1 =	rddreg [dreg:$0x1];
	p0 =	sne.s32 s2, $0x0  }
0x5d: {  	s3 =	rddreg [dreg:$0x2];
	[bflag:$0x3] =	sbarrier.arrive $0xFFFF;
	s2 =	simm.s32 @!p0 $0x1C02  }
0x5e: {  	[timem:s3], [sflag:s2] =	dma.local @!p0 [hbm:s0], s1  }
0x5f: {  	s0 =	simm.s32 @!p0 $0x2  }
0x60: {  	_ =	swait.ge @!p0 [sflag:s0], s1  }
0x61: {  	s1 =	ssub.s32 @!p0 $0x0, s1;
	[sflag:s0] =	ssyncset.done @!p0 $0x0  }
0x62: {  	[sflag:s0] =	ssyncadd.s32 @!p0 s1  }
0x63: {  	[bflag:$0x3] =	sbarrier.arrive $0xFFFF  }
0x64: {  	_ =	shalt  }

// kernel: kernel.8.cloned.1.call-start
scs
__scs_entry_jumppad:
0x0: {  	(pc) =	sbr.rel $0x88, $3  }
0x1: {  	(tag) =	ssettag $0x0;
	lr =	simm.s32 $0x1  }
0x2: {  	[smem:$0x3F90] =	sst lr;
	_ =	strace $0xD0000000  }
0x3: {  	_ = 	snop  }
0x4: {  	_ = 	snop  }
0x5: {  	_ = 	snop  }
0x6: {  	_ = 	snop  }
0x7: {  	_ = 	snop  }
__scs_overlays_trampoline_lowered:
0x8: {  	[smem:$0x3F9F] =	sst s0  }
0x9: {  	[smem:$0x3FA0] =	sst s1  }
0xa: {  	[smem:$0x3FA1] =	sst s2  }
0xb: {  	[smem:$0x3FA2] =	sst s3  }
0xc: {  	[smem:$0x3FA3] =	sst s4  }
0xd: {  	[smem:$0x3FA4] =	sst s5  }
0xe: {  	[smem:$0x3FA5] =	sst s6  }
0xf: {  	[smem:$0x3FA6] =	sst s7  }
0x10: {  	[smem:$0x3FA7] =	sst s8  }
0x11: {  	[smem:$0x3FA8] =	sst s9;
	s0 =	simm.s32 @!p0 $0x0  }
0x12: {  	s1 =	sld [smem:$0x3F8E];
	s0 =	simm.s32 @p0 $0x1  }
0x13: {  	[smem:$0x3FA9] =	sst s0;
	s0 =	simm.s32 @!p1 $0x0  }
0x14: {  	s2 =	sld [smem:$0x3F8D];
	s0 =	simm.s32 @p1 $0x1  }
0x15: {  	[smem:$0x3FAA] =	sst s0;
	s0 =	simm.s32 @!p2 $0x0  }
0x16: {  	s3 =	sld [smem:$0x3FDB];
	s0 =	simm.s32 @p2 $0x1  }
0x17: {  	s4 =	simm.s32 $0x1BF5;
	[smem:$0x3FAC] =	sst s0  }
0x18: {  	s0 =	sld [smem:$0x3F8F];
	_ =	swait.ge [sflag:s4], $0x0  }
0x19: {  	s7 =	sld [smem:$0x3F90]  }
0x1a: {  	s8 =	sadd.s32 $0xFFFFE003, lr  }
0x1b: {  	s9 =	sadd.s32 $0xFFFFFEF7, lr;
	s5 =	simm.s32 $0xFFFFFFFF;
	p2 =	slt.u32 s8, $0xFFFFF086  }
0x1c: {  	p1 =	slt.u32 s9, $0xF7A;
	s5 =	simm.s32 @!p2 $0x0  }
0x1d: {  	s5 =	simm.s32 @p1 $0x1;
	p0 =	seq.s32 s7, s2  }
0x1e: {  	s7 =	smul.u32 @!p0 $0xF7A, s2;
	p2 =	seq.s32 @!p0 s5, $0x0  }
0x1f: {  	s9 =	smul.u32 $0xF7A, s1;
	s8 =	simm.s32 @!p0 $0x1BF5;
	p2 =	por !p2, p0  }
0x20: {  	[sflag:s8] =	ssyncset.s32 @!p0 $0xFFFFF086;
	s6 =	sadd.s32 @!p0 s3, s7;
	s7 =	simm.s32 @!p0 $0x108  }
0x21: {  	s3 =	sadd.s32 s3, s9;
	s6 =	sadd.s32 @!p0 $0x88, s6;
	s7 =	simm.s32 @p2 $0x1082  }
0x22: {  	[simem:s7], [sflag:s8] =	dma.local @!p0 [hbm:s6], $0xF7A  }
0x23: {  	s9 =	sor.u32 $0xD0000000, s2;
	s6 =	simm.s32 $0x108;
	_ =	swait.ge @!p0 [sflag:s8], $0x0  }
0x24: {  	s3 =	sadd.s32 $0x88, s3;
	s6 =	simm.s32 @!p1 $0x1082;
	[sflag:s4] =	ssyncset.s32 $0xFFFFF086  }
0x25: {  	[simem:s6], [sflag:s4] =	dma.local [hbm:s3], $0xF7A  }
0x26: {  	[smem:$0x3F90] =	sst s1;
	(tag) =	ssettag s2;
	_ =	strace s9  }
0x27: {  	s1 =	sld [smem:$0x3FA0]  }
0x28: {  	s2 =	sld [smem:$0x3FA1]  }
0x29: {  	s4 =	sld [smem:$0x3FA3]  }
0x2a: {  	p0 =	seq.s32 s5, $0x0;
	s5 =	sld [smem:$0x3FA4]  }
0x2b: {  	s6 =	sld [smem:$0x3FA5]  }
0x2c: {  	s7 =	sld [smem:$0x3FA6]  }
0x2d: {  	s3 =	simm.s32 $0x108;
	s8 =	sld [smem:$0x3FA7]  }
0x2e: {  	s3 =	simm.s32 @!p0 $0x1082;
	s9 =	sld [smem:$0x3FA8]  }
0x2f: {  	lr =	sadd.s32 s0, s3;
	s0 =	sld [smem:$0x3F9F]  }
0x30: {  	s3 =	sld [smem:$0x3FA2]  }
0x31: {  	[smem:$0x3FAB] =	sst s10  }
0x32: {  	s10 =	sld [smem:$0x3FA9];
	_ =	sdelay $0x3  }
0x33: {  	p0 =	seq.s32 s10, $0x1;
	s10 =	sld [smem:$0x3FAB];
	_ =	sdelay $0x3  }
0x34: {  	[smem:$0x3FAB] =	sst s10  }
0x35: {  	s10 =	sld [smem:$0x3FAA];
	_ =	sdelay $0x3  }
0x36: {  	p1 =	seq.s32 s10, $0x1;
	s10 =	sld [smem:$0x3FAB];
	_ =	sdelay $0x3  }
0x37: {  	[smem:$0x3FAB] =	sst s10  }
0x38: {  	s10 =	sld [smem:$0x3FAC]  }
0x39: {  	_ = 	snop;
	(pc) =	sbr.ind lr, $3  }
0x3a: {  	_ = 	snop  }
0x3b: {  	_ = 	snop  }
0x3c: {  	p2 =	seq.s32 s10, $0x1;
	s10 =	sld [smem:$0x3FAB]  }
0x3d: {  	_ =	shalt  }
0x3e: {  	_ =	shalt  }
0x3f: {  	_ =	shalt  }
0x40: {  	_ =	shalt  }
0x41: {  	_ =	shalt  }
0x42: {  	_ =	shalt  }
0x43: {  	_ =	shalt  }
0x44: {  	_ =	shalt  }
0x45: {  	_ =	shalt  }
0x46: {  	_ =	shalt  }
0x47: {  	_ =	shalt  }
0x48: {  	_ =	shalt  }
0x49: {  	_ =	shalt  }
0x4a: {  	_ =	shalt  }
0x4b: {  	_ =	shalt  }
0x4c: {  	_ =	shalt  }
0x4d: {  	_ =	shalt  }
0x4e: {  	_ =	shalt  }
0x4f: {  	_ =	shalt  }
0x50: {  	_ =	shalt  }
0x51: {  	_ =	shalt  }
0x52: {  	_ =	shalt  }
0x53: {  	_ =	shalt  }
0x54: {  	_ =	shalt  }
0x55: {  	_ =	shalt  }
0x56: {  	_ =	shalt  }
0x57: {  	_ =	shalt  }
0x58: {  	_ =	shalt  }
0x59: {  	_ =	shalt  }
0x5a: {  	_ =	shalt  }
0x5b: {  	_ =	shalt  }
0x5c: {  	_ =	shalt  }
0x5d: {  	_ =	shalt  }
0x5e: {  	_ =	shalt  }
0x5f: {  	_ =	shalt  }
0x60: {  	_ =	shalt  }
0x61: {  	_ =	shalt  }
0x62: {  	_ =	shalt  }
0x63: {  	_ =	shalt  }
0x64: {  	_ =	shalt  }
0x65: {  	_ =	shalt  }
0x66: {  	_ =	shalt  }
0x67: {  	_ =	shalt  }
0x68: {  	_ =	shalt  }
0x69: {  	_ =	shalt  }
0x6a: {  	_ =	shalt  }
0x6b: {  	_ =	shalt  }
0x6c: {  	_ =	shalt  }
0x6d: {  	_ =	shalt  }
0x6e: {  	_ =	shalt  }
0x6f: {  	_ =	shalt  }
0x70: {  	_ =	shalt  }
0x71: {  	_ =	shalt  }
0x72: {  	_ =	shalt  }
0x73: {  	_ =	shalt  }
0x74: {  	_ =	shalt  }
0x75: {  	_ =	shalt  }
0x76: {  	_ =	shalt  }
0x77: {  	_ =	shalt  }
0x78: {  	_ =	shalt  }
0x79: {  	_ =	shalt  }
0x7a: {  	_ =	shalt  }
0x7b: {  	_ =	shalt  }
0x7c: {  	_ =	shalt  }
0x7d: {  	_ =	shalt  }
0x7e: {  	_ =	shalt  }
0x7f: {  	_ =	shalt  }
0x80: {  	_ =	shalt  }
0x81: {  	_ =	shalt  }
0x82: {  	_ =	shalt  }
0x83: {  	_ =	shalt  }
0x84: {  	_ =	shalt  }
0x85: {  	_ =	shalt  }
0x86: {  	_ =	shalt  }
0x87: {  	_ =	shalt  }
.Lfunc_end0:
.L_simem_size_0:
called_computation_lowered:
.L_overlay_start_0:
0x88: {  	s2 =	sld [smem:$0x3FD9]  }
0x89: {  	s3 =	sld [smem:$0x3FFE];
	_ =	sdelay $0x1  }
0x8a: {  	s1 =	srdreg.scid  }
0x8b: {  	s0 =	sand.u32 $0x1, s1  }
0x8c: {  	s17 =	sshll.u32 s0, $0xA;
	s2 =	sadd.s32 s3, s2  }
0x8d: {  	s2 =	sadd.s32 s2, s17  }
0x8e: {  	[smem:$0x3FB7] =	sst s2  }
0x8f: {  	_ = 	snop  }
0x90: {  	s2 =	sld [smem:$0x3FC9]  }
0x91: {  	s18 =	sld [smem:$0x3FD0];
	(tm) =	ssettm $0x1  }
0x92: {  	s4 =	sld [smem:$0x3FFB];
	_ =	sdelay $0x3  }
0x93: {  	_ =	strace s4  }
0x94: {  	s4 =	sld [smem:$0x3FFC];
	_ =	sdelay $0x3  }
0x95: {  	_ =	strace s4  }
0x96: {  	s4 =	sld [smem:$0x3FFD];
	_ =	sdelay $0x3  }
0x97: {  	_ =	strace s4  }
0x98: {  	_ =	strace $0x8FFFFFFF  }
0x99: {  	s19 =	sld [smem:$0x3FDB];
	_ =	sdelay $0x1  }
0x9a: {  	s5 =	simm.s32 $_scs_section_size  }
0x9b: {  	s6 =	simm.s32 $_size__tile_overlayer_lowered;
	s7 =	simm.s32 $_tile_overlayer_lowered  }
0x9c: {  	s22 =	simm.s32 $0x1BFF;
	s21 =	sshll.u32 s7, $0x1;
	s4 =	sadd.s32 s5, s19  }
0x9d: {  	s8 =	simm.s32 $0x0;
	s20 =	sshll.u32 s6, $0x1;
	s6 =	sadd.s32 s21, s4  }
0x9e: {  	[timem:s8], [sflag:s22] =	dma.local [hbm:s6], s20  }
0x9f: {  	_ =	swait.ge [sflag:s22], s20  }
0xa0: {  	s5 =	ssub.s32 $0x0, s20;
	[sflag:s22] =	ssyncset.done $0x0  }
0xa1: {  	[sflag:s22] =	ssyncadd.s32 s5;
	_ =	sdelay $0x1  }
0xa2: {  	s23 =	simm.s32 $0x1B8B  }
0xa3: {  	_ =	swait.ge [sflag:s23], $0x1  }
0xa4: {  	[sflag:s23] =	ssyncset.done $0x0  }
0xa5: {  	s25 =	simm.s32 $0x1B8E;
	s24 =	sld [smem:$0x3FFE];
	[sflag:s23] =	ssyncadd.s32 $0xFFFFFFFF  }
0xa6: {  	s26 =	simm.s32 $execute0_lowered;
	[smem:$0x3FD2] =	sst s25  }
0xa7: {  	s6 =	sshll.u32 s26, $0x1;
	_ =	strace $0x80000046;
	[dreg:$0x1] =	wrdreg $0xFFFFFFFF  }
0xa8: {  	s28 =	simm.s32 $_size_execute0_lowered;
	s4 =	sadd.s32 s4, s6;
	[dreg:$0x0] =	wrdreg $0x0  }
0xa9: {  	s6 =	sshll.u32 s28, $0x1;
	[dreg:$0x2] =	wrdreg s4  }
0xaa: {  	[dreg:$0x3] =	wrdreg s6  }
0xab: {  	[dreg:$0x4] =	wrdreg $0xC0  }
0xac: {  	_ =	task [dreg:s8], $0x5FFFF  }
0xad: {  	[dreg:$0x1] =	wrdreg $0xFFFFFFFF  }
0xae: {  	[dreg:$0x0] =	wrdreg $0x60  }
0xaf: {  	[dreg:$0x2] =	wrdreg s2  }
0xb0: {  	[dreg:$0x3] =	wrdreg s24  }
0xb1: {  	[dreg:$0x4] =	wrdreg s18  }
0xb2: {  	[dreg:$0x5] =	wrdreg $0x29000  }
0xb3: {  	[dreg:$0x6] =	wrdreg $0x9  }
0xb4: {  	_ =	task.clear_ibuf [dreg:s8], $0x7FFFF;
	_ =	strace $0x90000046  }
0xb5: {  	s29 =	simm.s32 $0x9;
	_ =	strace $0x80000048  }
0xb6: {  	_ =	swait.ge [sflag:s29], $0x1  }
0xb7: {  	[sflag:s29] =	ssyncadd.s32 $0xFFFFFFFF  }
0xb8: {  	_ =	strace $0x90000048  }
0xb9: {  	_ =	sfence  }
0xba: {  	s30 =	sld [smem:$0x0];
	_ =	sdelay $0x2  }
0xbb: {  	s31 =	sshll.u32 s1, $0xD;
	s1 =	sshrl.u32 s1, $0x2  }
0xbc: {  	s3 =	sand.u32 $0x4000, s31;
	s1 =	sadd.s32 s1, s30  }
0xbd: {  	s0 =	sor.u32 s3, s0;
	s1 =	sshll.u32 s1, $0x11  }
0xbe: {  	s0 =	sor.u32 s1, s0  }
0xbf: {  	s0 =	sadd.s32 $0x8F2B, s0  }
0xc0: {  	[sflag:s0] =	ssyncadd.remote.s32 $0x1  }
0xc1: {  	_ =	sfence.sel $0xFFFF  }
0xc2: {  	[dreg:$0x0] =	wrdreg $0xFFFFFFFF;
	(pc) =	sbr.abs _section_cstart, $3  }
0xc3: {  	[dreg:$0x1] =	wrdreg $0xFFFFFFFF  }
0xc4: {  	_ =	task.clear_ibuf [dreg:s8], $0x2FFFF;
	_ =	strace $0x9FFFFFFF  }
0xc5: {  	(tm) =	ssettm $0x7FFFFFFF  }
tec
execute0_lowered:
.L_overlay_start_1:
0x0: {  	(tag) =	ssettag $0x1  }
0x1: {  	s0 =	rddreg [dreg:$0x0]  }
0x2: {  	s1 =	srdreg.scid;
	s5 =	rddreg [dreg:$0x1]  }
0x3: {  	s11 =	stileid.u32;
	s9 =	rddreg [dreg:$0x2]  }
0x4: {  	s2 =	rddreg [dreg:$0x3];
	s3 =	simm.s32 $0x0;
	s16 =	simm.s32 $0x100  }
0x5: {  	s17 =	simm.s32 $0x1;
	s18 =	simm.s32 $0x0;
	s4 =	smul.u32 $0x4E20, s11  }
0x6: {  	s6 =	sand.u32 $0x1, s1;
	s1 =	rddreg [dreg:$0x4];
	s26 =	smul.u32 $0x2700, s11  }
0x7: {  	[smem:$0x7FF] =	sst s3;
	s13 =	smul.u32 $0x4E000, s11;
	s14 =	sadd.s32 $0xFE00, s5  }
0x8: {  	s30 =	sshll.u32 s11, $0x6;
	p0 =	sne.s32 s11, $0x0;
	s7 =	smul.u32 $0x2710, s6  }
0x9: {  	_ =	strace $0x80000047;
	s8 =	ssub.s32 $0x2, s6;
	s15 =	smul.u32 $0x138800, s6  }
0xa: {  	s6 =	smul.u32 $0x27100, s6;
	s28 =	sshrl.u32 s8, $0x1;
	s29 =	sshrl.u32 s13, $0x2  }
0xb: {  	s4 =	sadd.s32 s7, s4;
	s8 =	ssub.s32 s8, s28;
	s13 =	sadd.s32 s29, s2  }
0xc: {  	s15 =	sshrl.u32 s15, $0x3;
	s6 =	sadd.s32 s26, s6;
	s10 =	sshrl.u32 s4, $0x3  }
0xd: {  	s4 =	sadd.s32 $0xD600, s5;
	s31 =	sadd.s32 s14, s15;
	s15 =	sadd.s32 $0x138000, s2  }
0xe: {  	s6 =	sadd.s32 s14, s6;
	s8 =	smax.u32 s8, $0x1;
	s11 =	sshrl.u32 s13, $0x3  }
0xf: {  	s14 =	simm.s32 $0x80;
	s12 =	sadd.s32 s10, s5;
	s5 =	sor.u32 $0x1C02, s30  }
0x10: {  	s7 =	sadd.s32 $0x27000, s31;
	s9 =	sadd.s32 s10, s9;
	s13 =	sshrl.u32 @!p0 s15, $0x3  }
0x11: {  	s15 =	simm.s32 $0x50;
	s10 =	sadd.s32 $0x3800, s12;
	s12 =	simm.s32 $0x2  }
.LBB2_1:
0x12: {  	[spmem:s11], [sflag:s5] =	dma.local [hbm:s4], $0x2700  }
0x13: {  	_ =	swait.ge [sflag:s12], $0x2700  }
0x14: {  	[sflag:s12] =	ssyncset.done $0x0  }
0x15: {  	s19 =	simm.s32 @!p0 $0x2;
	[sflag:s12] =	ssyncadd.s32 $0xFFFFD900  }
0x16: {  	[spmem:s13], [sflag:s5] =	dma.local @!p0 [hbm:s4], $0x100  }
0x17: {  	_ =	swait.ge @!p0 [sflag:s19], $0x100  }
0x18: {  	[sflag:s19] =	ssyncset.done @!p0 $0x0  }
0x19: {  	[sflag:s19] =	ssyncadd.s32 @!p0 $0xFFFFFF00  }
0x1a: {  	s30 =	sadd.s32 $0x0, s10;
	[bflag:$0x0] =	sbarrier.arrive $0xFFFF  }
0x1b: {  	[tilespmem:s3], [sflag:$0x2] =	stream.linear.gather [hbm4b:s30+s3], $0x50, $0x38;
	[tilespmem:$0x16180] =	vst v63  }
0x1c: {  	_ =	swait.ge [sflag:s12], $0x50  }
0x1d: {  	[sflag:s12] =	ssyncset.done $0x0  }
0x1e: {  	s31 =	sadd.s32 $0x0, s9;
	[sflag:s12] =	ssyncadd.s32 $0xFFFFFFB0  }
0x1f: {  	[tilespmem:s14], [sflag:$0x2] =	stream.linear.gather [hbm4b:s31+s3], $0x50, $0x38;
	[tilespmem:$0x16180] =	vst v63  }
0x20: {  	_ =	swait.ge [sflag:s12], $0x50  }
0x21: {  	[sflag:s12] =	ssyncset.done $0x0  }
0x22: {  	[sflag:s12] =	ssyncadd.s32 $0xFFFFFFB0  }
0x23: {  	[tilespmem:s16], [sflag:$0x1] =	stream.indirect.gather [hbm4b:s0+s15], $0x80, s3, s15, $0xb8;
	[tilespmem:$0x16180] =	vst v63  }
0x24: {  	_ =	swait.ge [sflag:s17], $0x2800  }
0x25: {  	[sflag:s17] =	ssyncset.done $0x0  }
0x26: {  	[sflag:s17] =	ssyncadd.s32 $0xFFFFD800  }
0x27: {  	[spmem:s2] =	stream.indirect.scatter.add.f32 [tilespmem:s16], [sflag:$0x2], $0x80, s14, s15, $0xb8;
	[tilespmem:$0x16180] =	vst v63  }
0x28: {  	_ =	swait.ge [sflag:s12], $0x2800  }
0x29: {  	s20 =	simm.s32 $0x14;
	s19 =	simm.s32 $0xA;
	[sflag:s12] =	ssyncset.done $0x0  }
.LBB2_2:
0x2a: {  	s21 =	sadd.s32 s19, s10  }
0x2b: {  	[sflag:s12] =	ssyncadd.s32 $0xFFFFD800;
	s22 =	smov.u32 s20;
	s23 =	sadd.s32 $0xA, s20  }
0x2c: {  	[tilespmem:s3], [sflag:$0x2] =	stream.linear.gather [hbm4b:s21+s3], $0x50, $0x38;
	[tilespmem:$0x16180] =	vst v63  }
0x2d: {  	p1 =	sne.s32 s20, $0x4D8;
	_ =	swait.ge [sflag:s12], $0x50  }
0x2e: {  	[sflag:s12] =	ssyncset.done $0x0  }
0x2f: {  	s20 =	sadd.s32 s19, s9;
	s19 =	smov.u32 s22;
	[sflag:s12] =	ssyncadd.s32 $0xFFFFFFB0  }
0x30: {  	[tilespmem:s14], [sflag:$0x2] =	stream.linear.gather [hbm4b:s20+s3], $0x50, $0x38;
	[tilespmem:$0x16180] =	vst v63  }
0x31: {  	_ =	swait.ge [sflag:s12], $0x50  }
0x32: {  	[sflag:s12] =	ssyncset.done $0x0  }
0x33: {  	[sflag:s12] =	ssyncadd.s32 $0xFFFFFFB0  }
0x34: {  	[tilespmem:s16], [sflag:$0x1] =	stream.indirect.gather [hbm4b:s0+s15], $0x80, s3, s15, $0xb8;
	[tilespmem:$0x16180] =	vst v63  }
0x35: {  	_ =	swait.ge [sflag:s17], $0x2800  }
.Ltmp0:
0x36: {  	[sflag:s17] =	ssyncset.done $0x0;
	(pc) =	sbr.rel @p1 .LBB2_2-.Ltmp0, $4  }
0x37: {  	[sflag:s17] =	ssyncadd.s32 $0xFFFFD800  }
0x38: {  	[spmem:s2] =	stream.indirect.scatter.add.f32 [tilespmem:s16], [sflag:$0x2], $0x80, s14, s15, $0xb8;
	[tilespmem:$0x16180] =	vst v63  }
0x39: {  	_ =	swait.ge [sflag:s12], $0x2800  }
0x3a: {  	s20 =	smov.u32 s23;
	[sflag:s12] =	ssyncset.done $0x0  }
0x3b: {  	s20 =	sadd.s32 s19, s10;
	[sflag:s12] =	ssyncadd.s32 $0xFFFFD800  }
0x3c: {  	[tilespmem:s3], [sflag:$0x2] =	stream.linear.gather [hbm4b:s20+s3], $0x50, $0x38;
	[tilespmem:$0x16180] =	vst v63  }
0x3d: {  	_ =	swait.ge [sflag:s12], $0x50  }
0x3e: {  	[sflag:s12] =	ssyncset.done $0x0  }
0x3f: {  	s31 =	sadd.s32 s19, s9;
	[sflag:s12] =	ssyncadd.s32 $0xFFFFFFB0  }
0x40: {  	[tilespmem:s14], [sflag:$0x2] =	stream.linear.gather [hbm4b:s31+s3], $0x50, $0x38;
	[tilespmem:$0x16180] =	vst v63  }
0x41: {  	_ =	swait.ge [sflag:s12], $0x50  }
0x42: {  	[sflag:s12] =	ssyncset.done $0x0  }
0x43: {  	[sflag:s12] =	ssyncadd.s32 $0xFFFFFFB0  }
0x44: {  	[tilespmem:s16], [sflag:$0x1] =	stream.indirect.gather [hbm4b:s0+s15], $0x80, s3, s15, $0xb8;
	[tilespmem:$0x16180] =	vst v63  }
0x45: {  	_ =	swait.ge [sflag:s17], $0x2800  }
0x46: {  	[sflag:s17] =	ssyncset.done $0x0  }
0x47: {  	[sflag:s17] =	ssyncadd.s32 $0xFFFFD800  }
0x48: {  	[spmem:s2] =	stream.indirect.scatter.add.f32 [tilespmem:s16], [sflag:$0x2], $0x80, s14, s15, $0xb8;
	[tilespmem:$0x16180] =	vst v63  }
0x49: {  	_ =	swait.ge [sflag:s12], $0x2800  }
0x4a: {  	[sflag:s12] =	ssyncset.done $0x0  }
0x4b: {  	[sflag:s12] =	ssyncadd.s32 $0xFFFFD800  }
0x4c: {  	[bflag:$0x0] =	sbarrier.arrive $0xFFFF  }
0x4d: {  	[hbm:s6], [sflag:s5] =	dma.local [spmem:s11], $0x2700  }
0x4e: {  	s18 =	sadd.s32 $0x1, s18;
	_ =	swait.ge [sflag:s12], $0x2700  }
0x4f: {  	p1 =	sne.s32 s18, s8;
	[sflag:s12] =	ssyncset.done $0x0  }
.Ltmp1:
0x50: {  	s19 =	simm.s32 @!p0 $0x2;
	[sflag:s12] =	ssyncadd.s32 $0xFFFFD900;
	(pc) =	sbr.rel @p1 .LBB2_1-.Ltmp1, $4  }
0x51: {  	[hbm:s7], [sflag:s5] =	dma.local @!p0 [spmem:s13], $0x100  }
0x52: {  	_ =	swait.ge @!p0 [sflag:s19], $0x100  }
0x53: {  	[sflag:s19] =	ssyncset.done @!p0 $0x0  }
0x54: {  	[sflag:s19] =	ssyncadd.s32 @!p0 $0xFFFFFF00  }
0x55: {  	_ =	sfence.sel $0x180000  }
0x56: {  	[bflag:$0x0] =	sbarrier.arrive $0xFFFF  }
0x57: {  	_ =	strace $0x90000047  }
0x58: {  	s0 =	sadd.s32 @!p0 $0x100000, s1;
	[bflag:$0x2] =	sbarrier.arrive $0xFFFF  }
0x59: {  	[sflag:s0] =	ssyncadd.tile.s32 @!p0 $0x1;
	_ =	shalt  }
.Lfunc_end2:
_tile_overlayer_lowered:
.L_overlay_start_2:
0x5a: {  	(tag) =	ssettag $0x2  }
0x5b: {  	s0 =	rddreg [dreg:$0x0];
	s2 =	stileid.u32  }
0x5c: {  	s1 =	rddreg [dreg:$0x1];
	p0 =	sne.s32 s2, $0x0  }
0x5d: {  	s3 =	rddreg [dreg:$0x2];
	[bflag:$0x3] =	sbarrier.arrive $0xFFFF;
	s2 =	simm.s32 @!p0 $0x1C02  }
0x5e: {  	[timem:s3], [sflag:s2] =	dma.local @!p0 [hbm:s0], s1  }
0x5f: {  	s0 =	simm.s32 @!p0 $0x2  }
0x60: {  	_ =	swait.ge @!p0 [sflag:s0], s1  }
0x61: {  	s1 =	ssub.s32 @!p0 $0x0, s1;
	[sflag:s0] =	ssyncset.done @!p0 $0x0  }
0x62: {  	[sflag:s0] =	ssyncadd.s32 @!p0 s1  }
0x63: {  	[bflag:$0x3] =	sbarrier.arrive $0xFFFF  }
0x64: {  	_ =	shalt  }

</sc_bundles>
